<compile_context>
chip_gen: v7x
topology: tpu7x:2x2x1
jax: 0.10.2.dev20260603
libtpu: 0.0.44.dev20260713+nightly
codegen_flags: <defaults>
</compile_context>

<pallas_src>
import jax
import jax.numpy as jnp
from jax import lax
from jax.experimental import pallas as pl
from jax.experimental.pallas import tpu as pltpu
from jax.experimental.pallas import tpu_sc as plsc

_NODES = 64
_IN = 8
_OUT = _NODES - _IN
_EDGES = 256
_N = 262144
_SLOTS = _OUT * _IN
_LANES = 16
_BN = 65536


def _adj_body(src_hbm, dst_hbm, w_hbm, a_hbm, src_v, dst_v, w_v, a_v, sem):
    cp1 = pltpu.async_copy(src_hbm, src_v, sem)
    cp2 = pltpu.async_copy(dst_hbm, dst_v, sem)
    cp3 = pltpu.async_copy(w_hbm, w_v, sem)
    zeros = jnp.zeros((_LANES,), jnp.float32)
    lane = lax.iota(jnp.int32, _LANES)
    for i in range(_SLOTS // _LANES):
        j = lane + (i * _LANES)
        plsc.store_scatter(a_v, [j >> 3, j & 7], zeros)
    cp1.wait()
    cp2.wait()
    cp3.wait()
    for i in range(_EDGES // _LANES):
        off = i * _LANES
        s = src_v[pl.ds(off, _LANES)]
        d = dst_v[pl.ds(off, _LANES)]
        w = w_v[pl.ds(off, _LANES)]
        plsc.addupdate_scatter(a_v, [d - _IN, s], w)
    pltpu.sync_copy(a_v, a_hbm)


def _build_adj(edge_src, edge_dst, weights):
    run = pl.kernel(
        _adj_body,
        out_type=jax.ShapeDtypeStruct((_OUT, _IN), jnp.float32),
        scratch_types=[
            pltpu.VMEM((_EDGES,), jnp.int32),
            pltpu.VMEM((_EDGES,), jnp.int32),
            pltpu.VMEM((_EDGES,), jnp.float32),
            pltpu.VMEM((_OUT, _IN), jnp.float32),
            pltpu.SemaphoreType.DMA,
        ],
        mesh=plsc.VectorSubcoreMesh(
            core_axis_name="c", subcore_axis_name="s",
            num_cores=1, num_subcores=1),
        compiler_params=pltpu.CompilerParams(needs_layout_passes=False),
    )
    return run(edge_src, edge_dst, weights)


def _dense_body(a_ref, loss_ref, prev_ref, par_ref, o_ref):
    f = jnp.concatenate([loss_ref[...], prev_ref[...], par_ref[...]], axis=0)
    o_ref[...] = lax.dot_general(
        a_ref[...], f, (((1,), (0,)), ((), ())),
        preferred_element_type=jnp.float32)


def kernel(loss, prev_loss, params, weights, edge_src, edge_dst):
    a = _build_adj(edge_src, edge_dst, weights)
    out = pl.pallas_call(
        _dense_body,
        grid=(_N // _BN,),
        in_specs=[
            pl.BlockSpec((_OUT, _IN), lambda i: (0, 0)),
            pl.BlockSpec((1, _BN), lambda i: (0, i)),
            pl.BlockSpec((1, _BN), lambda i: (0, i)),
            pl.BlockSpec((_IN - 2, _BN), lambda i: (0, i)),
        ],
        out_specs=pl.BlockSpec((_OUT, _BN), lambda i: (0, i)),
        out_shape=jax.ShapeDtypeStruct((_OUT, _N), jnp.float32),
    )(a, loss.reshape(1, _N), prev_loss.reshape(1, _N), params)
    return out

# --- scband reference (transcript-rebuilt; emitter-appended) ---
"""Pipeline reference for scband-dynamic-optimizer-module-16295105921343 (READ-ONLY COPY).

The authoritative reference and input builder live on the scoring server;
editing this copy changes nothing except your own understanding.
"""

import jax, jax.numpy as jnp
import numpy as np

NUM_NODES = 64
NUM_INPUTS = 8   # loss + prev_loss + 6 params
NUM_PARAMS = 6
NUM_EDGES = 256
N = 262144       # per-node feature length (flattened parameter size)


def setup_inputs(seed: int = 0) -> dict:
    key = jax.random.key(seed)
    k1, k2, k3, k4 = jax.random.split(key, 4)
    loss = jax.random.normal(k1, (N,), dtype=jnp.float32)
    prev_loss = jax.random.normal(k2, (N,), dtype=jnp.float32)
    params = jax.random.normal(k3, (NUM_PARAMS, N), dtype=jnp.float32)
    # learned per-edge scalar weights (nn.ParameterList in the torch module)
    weights = jax.random.normal(k4, (NUM_EDGES,), dtype=jnp.float32)
    # static genome connectivity: src indexes the stacked input features (<NUM_INPUTS),
    # dst indexes graph nodes (hidden nodes live in [NUM_INPUTS, NUM_NODES))
    rng = np.random.default_rng(0)
    edge_src = jnp.asarray(rng.integers(0, NUM_INPUTS, size=NUM_EDGES), dtype=jnp.int32)
    edge_dst = jnp.asarray(rng.integers(NUM_INPUTS, NUM_NODES, size=NUM_EDGES), dtype=jnp.int32)
    return {"loss": loss, "prev_loss": prev_loss, "params": params,
            "weights": weights, "edge_src": edge_src, "edge_dst": edge_dst}


def reference(loss, prev_loss, params, weights, edge_src, edge_dst):
    # features = torch.stack([loss, prev_loss] + params, 0)
    features = jnp.concatenate([loss[None, :], prev_loss[None, :], params], axis=0)  # [NUM_INPUTS, N]
    # per-edge message: features[src] * w, accumulated into out_feats[dst]
    msgs = jnp.take(features, edge_src, axis=0) * weights[:, None]                   # [E, N] gather
    out_feats = jnp.zeros((NUM_NODES, loss.shape[0]), dtype=loss.dtype)
    out_feats = out_feats.at[edge_dst].add(msgs)                                     # scatter-add
    # all_outputs[0]=loss, [1]=prev_loss, [2:2+P]=params (input pass-through)
    all_outputs = out_feats.at[0].set(loss).at[1].set(prev_loss)
    all_outputs = all_outputs.at[2:2 + params.shape[0]].set(params)
    # output_keys = range(NUM_INPUTS, NUM_NODES): the dict values, stacked
    output_keys = jnp.arange(NUM_INPUTS, NUM_NODES)
    return jnp.take(all_outputs, output_keys, axis=0)


if False:  # reference __main__ guard neutralized (emitter)
    out = reference(**setup_inputs())
    print(out.shape)

if __name__ == "__main__":
    import jax
    _d = setup_inputs()
    print(jax.jit(kernel)(*tuple(_d.values())))

</pallas_src>

<mosaic_0001>
#map = affine_map<(d0, d1) -> (0)>
#map1 = affine_map<(d0, d1) -> (0, 0)>
module attributes {stable_mosaic.version = 14 : i64} {
  func.func @_adj_body(%arg0: i32, %arg1: i32, %arg2: memref<256xi32, #tpu.memory_space<hbm>>, %arg3: memref<256xi32, #tpu.memory_space<hbm>>, %arg4: memref<256xf32, #tpu.memory_space<hbm>>, %arg5: memref<56x8xf32, #tpu.memory_space<hbm>>, %arg6: memref<256xi32, #tpu.memory_space<vmem>>, %arg7: memref<256xi32, #tpu.memory_space<vmem>>, %arg8: memref<256xf32, #tpu.memory_space<vmem>>, %arg9: memref<56x8xf32, #tpu.memory_space<vmem>>, %arg10: memref<!tpu.dma_semaphore, #tpu.memory_space<semaphore_mem>>) attributes {dimension_semantics = [#tpu.dimension_semantics<core_parallel>, #tpu.dimension_semantics<subcore_parallel>], iteration_bounds = array<i64: 1, 1>, scalar_prefetch = 0 : i64, scratch_operands = 5 : i64, tpu.core_type = #tpu.core_type<sc_vector_subcore>, window_params = [{transform_indices = #map}, {transform_indices = #map}, {transform_indices = #map}, {transform_indices = #map1}]} {
    tpu.enqueue_dma source(%arg2 : memref<256xi32, #tpu.memory_space<hbm>>) target(%arg6 : memref<256xi32, #tpu.memory_space<vmem>>) target_semaphore(%arg10 : memref<!tpu.dma_semaphore, #tpu.memory_space<semaphore_mem>>)
    tpu.enqueue_dma source(%arg3 : memref<256xi32, #tpu.memory_space<hbm>>) target(%arg7 : memref<256xi32, #tpu.memory_space<vmem>>) target_semaphore(%arg10 : memref<!tpu.dma_semaphore, #tpu.memory_space<semaphore_mem>>)
    tpu.enqueue_dma source(%arg4 : memref<256xf32, #tpu.memory_space<hbm>>) target(%arg8 : memref<256xf32, #tpu.memory_space<vmem>>) target_semaphore(%arg10 : memref<!tpu.dma_semaphore, #tpu.memory_space<semaphore_mem>>)
    %broadcast_in_dim3A = arith.constant 0.000000e+00 : f32
    %broadcast_in_dim3A_0 = vector.broadcast %broadcast_in_dim3A : f32 to vector<16xf32>
    %iota3A = tpu.iota {dimensions = array<i32: 0>} : vector<16xi32>
    %add3A = arith.constant 0 : i32
    %add3A_1 = vector.broadcast %add3A : i32 to vector<16xi32>
    %add3A_2 = arith.addi %iota3A, %add3A_1 : vector<16xi32>
    %shift_right_arithmetic3A = arith.constant 3 : i32
    %shift_right_arithmetic3A_3 = vector.broadcast %shift_right_arithmetic3A : i32 to vector<16xi32>
    %shift_right_arithmetic3A_4 = arith.shrsi %add3A_2, %shift_right_arithmetic3A_3 : vector<16xi32>
    %and3A = arith.constant 7 : i32
    %and3A_5 = vector.broadcast %and3A : i32 to vector<16xi32>
    %and3A_6 = arith.andi %add3A_2, %and3A_5 : vector<16xi32>
    tpu.vector_store_idx %arg9[%shift_right_arithmetic3A_4, %and3A_6], %broadcast_in_dim3A_0 : memref<56x8xf32, #tpu.memory_space<vmem>>[vector<16xi32>, vector<16xi32>], vector<16xf32>,
    %add3A_7 = arith.constant 16 : i32
    %add3A_8 = vector.broadcast %add3A_7 : i32 to vector<16xi32>
    %add3A_9 = arith.addi %iota3A, %add3A_8 : vector<16xi32>
    %shift_right_arithmetic3A_10 = arith.constant 3 : i32
    %shift_right_arithmetic3A_11 = vector.broadcast %shift_right_arithmetic3A_10 : i32 to vector<16xi32>
    %shift_right_arithmetic3A_12 = arith.shrsi %add3A_9, %shift_right_arithmetic3A_11 : vector<16xi32>
    %and3A_13 = arith.constant 7 : i32
    %and3A_14 = vector.broadcast %and3A_13 : i32 to vector<16xi32>
    %and3A_15 = arith.andi %add3A_9, %and3A_14 : vector<16xi32>
    tpu.vector_store_idx %arg9[%shift_right_arithmetic3A_12, %and3A_15], %broadcast_in_dim3A_0 : memref<56x8xf32, #tpu.memory_space<vmem>>[vector<16xi32>, vector<16xi32>], vector<16xf32>,
    %add3A_16 = arith.constant 32 : i32
    %add3A_17 = vector.broadcast %add3A_16 : i32 to vector<16xi32>
    %add3A_18 = arith.addi %iota3A, %add3A_17 : vector<16xi32>
    %shift_right_arithmetic3A_19 = arith.constant 3 : i32
    %shift_right_arithmetic3A_20 = vector.broadcast %shift_right_arithmetic3A_19 : i32 to vector<16xi32>
    %shift_right_arithmetic3A_21 = arith.shrsi %add3A_18, %shift_right_arithmetic3A_20 : vector<16xi32>
    %and3A_22 = arith.constant 7 : i32
    %and3A_23 = vector.broadcast %and3A_22 : i32 to vector<16xi32>
    %and3A_24 = arith.andi %add3A_18, %and3A_23 : vector<16xi32>
    tpu.vector_store_idx %arg9[%shift_right_arithmetic3A_21, %and3A_24], %broadcast_in_dim3A_0 : memref<56x8xf32, #tpu.memory_space<vmem>>[vector<16xi32>, vector<16xi32>], vector<16xf32>,
    %add3A_25 = arith.constant 48 : i32
    %add3A_26 = vector.broadcast %add3A_25 : i32 to vector<16xi32>
    %add3A_27 = arith.addi %iota3A, %add3A_26 : vector<16xi32>
    %shift_right_arithmetic3A_28 = arith.constant 3 : i32
    %shift_right_arithmetic3A_29 = vector.broadcast %shift_right_arithmetic3A_28 : i32 to vector<16xi32>
    %shift_right_arithmetic3A_30 = arith.shrsi %add3A_27, %shift_right_arithmetic3A_29 : vector<16xi32>
    %and3A_31 = arith.constant 7 : i32
    %and3A_32 = vector.broadcast %and3A_31 : i32 to vector<16xi32>
    %and3A_33 = arith.andi %add3A_27, %and3A_32 : vector<16xi32>
    tpu.vector_store_idx %arg9[%shift_right_arithmetic3A_30, %and3A_33], %broadcast_in_dim3A_0 : memref<56x8xf32, #tpu.memory_space<vmem>>[vector<16xi32>, vector<16xi32>], vector<16xf32>,
    %add3A_34 = arith.constant 64 : i32
    %add3A_35 = vector.broadcast %add3A_34 : i32 to vector<16xi32>
    %add3A_36 = arith.addi %iota3A, %add3A_35 : vector<16xi32>
    %shift_right_arithmetic3A_37 = arith.constant 3 : i32
    %shift_right_arithmetic3A_38 = vector.broadcast %shift_right_arithmetic3A_37 : i32 to vector<16xi32>
    %shift_right_arithmetic3A_39 = arith.shrsi %add3A_36, %shift_right_arithmetic3A_38 : vector<16xi32>
    %and3A_40 = arith.constant 7 : i32
    %and3A_41 = vector.broadcast %and3A_40 : i32 to vector<16xi32>
    %and3A_42 = arith.andi %add3A_36, %and3A_41 : vector<16xi32>
    tpu.vector_store_idx %arg9[%shift_right_arithmetic3A_39, %and3A_42], %broadcast_in_dim3A_0 : memref<56x8xf32, #tpu.memory_space<vmem>>[vector<16xi32>, vector<16xi32>], vector<16xf32>,
    %add3A_43 = arith.constant 80 : i32
    %add3A_44 = vector.broadcast %add3A_43 : i32 to vector<16xi32>
    %add3A_45 = arith.addi %iota3A, %add3A_44 : vector<16xi32>
    %shift_right_arithmetic3A_46 = arith.constant 3 : i32
    %shift_right_arithmetic3A_47 = vector.broadcast %shift_right_arithmetic3A_46 : i32 to vector<16xi32>
    %shift_right_arithmetic3A_48 = arith.shrsi %add3A_45, %shift_right_arithmetic3A_47 : vector<16xi32>
    %and3A_49 = arith.constant 7 : i32
    %and3A_50 = vector.broadcast %and3A_49 : i32 to vector<16xi32>
    %and3A_51 = arith.andi %add3A_45, %and3A_50 : vector<16xi32>
    tpu.vector_store_idx %arg9[%shift_right_arithmetic3A_48, %and3A_51], %broadcast_in_dim3A_0 : memref<56x8xf32, #tpu.memory_space<vmem>>[vector<16xi32>, vector<16xi32>], vector<16xf32>,
    %add3A_52 = arith.constant 96 : i32
    %add3A_53 = vector.broadcast %add3A_52 : i32 to vector<16xi32>
    %add3A_54 = arith.addi %iota3A, %add3A_53 : vector<16xi32>
    %shift_right_arithmetic3A_55 = arith.constant 3 : i32
    %shift_right_arithmetic3A_56 = vector.broadcast %shift_right_arithmetic3A_55 : i32 to vector<16xi32>
    %shift_right_arithmetic3A_57 = arith.shrsi %add3A_54, %shift_right_arithmetic3A_56 : vector<16xi32>
    %and3A_58 = arith.constant 7 : i32
    %and3A_59 = vector.broadcast %and3A_58 : i32 to vector<16xi32>
    %and3A_60 = arith.andi %add3A_54, %and3A_59 : vector<16xi32>
    tpu.vector_store_idx %arg9[%shift_right_arithmetic3A_57, %and3A_60], %broadcast_in_dim3A_0 : memref<56x8xf32, #tpu.memory_space<vmem>>[vector<16xi32>, vector<16xi32>], vector<16xf32>,
    %add3A_61 = arith.constant 112 : i32
    %add3A_62 = vector.broadcast %add3A_61 : i32 to vector<16xi32>
    %add3A_63 = arith.addi %iota3A, %add3A_62 : vector<16xi32>
    %shift_right_arithmetic3A_64 = arith.constant 3 : i32
    %shift_right_arithmetic3A_65 = vector.broadcast %shift_right_arithmetic3A_64 : i32 to vector<16xi32>
    %shift_right_arithmetic3A_66 = arith.shrsi %add3A_63, %shift_right_arithmetic3A_65 : vector<16xi32>
    %and3A_67 = arith.constant 7 : i32
    %and3A_68 = vector.broadcast %and3A_67 : i32 to vector<16xi32>
    %and3A_69 = arith.andi %add3A_63, %and3A_68 : vector<16xi32>
    tpu.vector_store_idx %arg9[%shift_right_arithmetic3A_66, %and3A_69], %broadcast_in_dim3A_0 : memref<56x8xf32, #tpu.memory_space<vmem>>[vector<16xi32>, vector<16xi32>], vector<16xf32>,
    %add3A_70 = arith.constant 128 : i32
    %add3A_71 = vector.broadcast %add3A_70 : i32 to vector<16xi32>
    %add3A_72 = arith.addi %iota3A, %add3A_71 : vector<16xi32>
    %shift_right_arithmetic3A_73 = arith.constant 3 : i32
    %shift_right_arithmetic3A_74 = vector.broadcast %shift_right_arithmetic3A_73 : i32 to vector<16xi32>
    %shift_right_arithmetic3A_75 = arith.shrsi %add3A_72, %shift_right_arithmetic3A_74 : vector<16xi32>
    %and3A_76 = arith.constant 7 : i32
    %and3A_77 = vector.broadcast %and3A_76 : i32 to vector<16xi32>
    %and3A_78 = arith.andi %add3A_72, %and3A_77 : vector<16xi32>
    tpu.vector_store_idx %arg9[%shift_right_arithmetic3A_75, %and3A_78], %broadcast_in_dim3A_0 : memref<56x8xf32, #tpu.memory_space<vmem>>[vector<16xi32>, vector<16xi32>], vector<16xf32>,
    %add3A_79 = arith.constant 144 : i32
    %add3A_80 = vector.broadcast %add3A_79 : i32 to vector<16xi32>
    %add3A_81 = arith.addi %iota3A, %add3A_80 : vector<16xi32>
    %shift_right_arithmetic3A_82 = arith.constant 3 : i32
    %shift_right_arithmetic3A_83 = vector.broadcast %shift_right_arithmetic3A_82 : i32 to vector<16xi32>
    %shift_right_arithmetic3A_84 = arith.shrsi %add3A_81, %shift_right_arithmetic3A_83 : vector<16xi32>
    %and3A_85 = arith.constant 7 : i32
    %and3A_86 = vector.broadcast %and3A_85 : i32 to vector<16xi32>
    %and3A_87 = arith.andi %add3A_81, %and3A_86 : vector<16xi32>
    tpu.vector_store_idx %arg9[%shift_right_arithmetic3A_84, %and3A_87], %broadcast_in_dim3A_0 : memref<56x8xf32, #tpu.memory_space<vmem>>[vector<16xi32>, vector<16xi32>], vector<16xf32>,
    %add3A_88 = arith.constant 160 : i32
    %add3A_89 = vector.broadcast %add3A_88 : i32 to vector<16xi32>
    %add3A_90 = arith.addi %iota3A, %add3A_89 : vector<16xi32>
    %shift_right_arithmetic3A_91 = arith.constant 3 : i32
    %shift_right_arithmetic3A_92 = vector.broadcast %shift_right_arithmetic3A_91 : i32 to vector<16xi32>
    %shift_right_arithmetic3A_93 = arith.shrsi %add3A_90, %shift_right_arithmetic3A_92 : vector<16xi32>
    %and3A_94 = arith.constant 7 : i32
    %and3A_95 = vector.broadcast %and3A_94 : i32 to vector<16xi32>
    %and3A_96 = arith.andi %add3A_90, %and3A_95 : vector<16xi32>
    tpu.vector_store_idx %arg9[%shift_right_arithmetic3A_93, %and3A_96], %broadcast_in_dim3A_0 : memref<56x8xf32, #tpu.memory_space<vmem>>[vector<16xi32>, vector<16xi32>], vector<16xf32>,
    %add3A_97 = arith.constant 176 : i32
    %add3A_98 = vector.broadcast %add3A_97 : i32 to vector<16xi32>
    %add3A_99 = arith.addi %iota3A, %add3A_98 : vector<16xi32>
    %shift_right_arithmetic3A_100 = arith.constant 3 : i32
    %shift_right_arithmetic3A_101 = vector.broadcast %shift_right_arithmetic3A_100 : i32 to vector<16xi32>
    %shift_right_arithmetic3A_102 = arith.shrsi %add3A_99, %shift_right_arithmetic3A_101 : vector<16xi32>
    %and3A_103 = arith.constant 7 : i32
    %and3A_104 = vector.broadcast %and3A_103 : i32 to vector<16xi32>
    %and3A_105 = arith.andi %add3A_99, %and3A_104 : vector<16xi32>
    tpu.vector_store_idx %arg9[%shift_right_arithmetic3A_102, %and3A_105], %broadcast_in_dim3A_0 : memref<56x8xf32, #tpu.memory_space<vmem>>[vector<16xi32>, vector<16xi32>], vector<16xf32>,
    %add3A_106 = arith.constant 192 : i32
    %add3A_107 = vector.broadcast %add3A_106 : i32 to vector<16xi32>
    %add3A_108 = arith.addi %iota3A, %add3A_107 : vector<16xi32>
    %shift_right_arithmetic3A_109 = arith.constant 3 : i32
    %shift_right_arithmetic3A_110 = vector.broadcast %shift_right_arithmetic3A_109 : i32 to vector<16xi32>
    %shift_right_arithmetic3A_111 = arith.shrsi %add3A_108, %shift_right_arithmetic3A_110 : vector<16xi32>
    %and3A_112 = arith.constant 7 : i32
    %and3A_113 = vector.broadcast %and3A_112 : i32 to vector<16xi32>
    %and3A_114 = arith.andi %add3A_108, %and3A_113 : vector<16xi32>
    tpu.vector_store_idx %arg9[%shift_right_arithmetic3A_111, %and3A_114], %broadcast_in_dim3A_0 : memref<56x8xf32, #tpu.memory_space<vmem>>[vector<16xi32>, vector<16xi32>], vector<16xf32>,
    %add3A_115 = arith.constant 208 : i32
    %add3A_116 = vector.broadcast %add3A_115 : i32 to vector<16xi32>
    %add3A_117 = arith.addi %iota3A, %add3A_116 : vector<16xi32>
    %shift_right_arithmetic3A_118 = arith.constant 3 : i32
    %shift_right_arithmetic3A_119 = vector.broadcast %shift_right_arithmetic3A_118 : i32 to vector<16xi32>
    %shift_right_arithmetic3A_120 = arith.shrsi %add3A_117, %shift_right_arithmetic3A_119 : vector<16xi32>
    %and3A_121 = arith.constant 7 : i32
    %and3A_122 = vector.broadcast %and3A_121 : i32 to vector<16xi32>
    %and3A_123 = arith.andi %add3A_117, %and3A_122 : vector<16xi32>
    tpu.vector_store_idx %arg9[%shift_right_arithmetic3A_120, %and3A_123], %broadcast_in_dim3A_0 : memref<56x8xf32, #tpu.memory_space<vmem>>[vector<16xi32>, vector<16xi32>], vector<16xf32>,
    %add3A_124 = arith.constant 224 : i32
    %add3A_125 = vector.broadcast %add3A_124 : i32 to vector<16xi32>
    %add3A_126 = arith.addi %iota3A, %add3A_125 : vector<16xi32>
    %shift_right_arithmetic3A_127 = arith.constant 3 : i32
    %shift_right_arithmetic3A_128 = vector.broadcast %shift_right_arithmetic3A_127 : i32 to vector<16xi32>
    %shift_right_arithmetic3A_129 = arith.shrsi %add3A_126, %shift_right_arithmetic3A_128 : vector<16xi32>
    %and3A_130 = arith.constant 7 : i32
    %and3A_131 = vector.broadcast %and3A_130 : i32 to vector<16xi32>
    %and3A_132 = arith.andi %add3A_126, %and3A_131 : vector<16xi32>
    tpu.vector_store_idx %arg9[%shift_right_arithmetic3A_129, %and3A_132], %broadcast_in_dim3A_0 : memref<56x8xf32, #tpu.memory_space<vmem>>[vector<16xi32>, vector<16xi32>], vector<16xf32>,
    %add3A_133 = arith.constant 240 : i32
    %add3A_134 = vector.broadcast %add3A_133 : i32 to vector<16xi32>
    %add3A_135 = arith.addi %iota3A, %add3A_134 : vector<16xi32>
    %shift_right_arithmetic3A_136 = arith.constant 3 : i32
    %shift_right_arithmetic3A_137 = vector.broadcast %shift_right_arithmetic3A_136 : i32 to vector<16xi32>
    %shift_right_arithmetic3A_138 = arith.shrsi %add3A_135, %shift_right_arithmetic3A_137 : vector<16xi32>
    %and3A_139 = arith.constant 7 : i32
    %and3A_140 = vector.broadcast %and3A_139 : i32 to vector<16xi32>
    %and3A_141 = arith.andi %add3A_135, %and3A_140 : vector<16xi32>
    tpu.vector_store_idx %arg9[%shift_right_arithmetic3A_138, %and3A_141], %broadcast_in_dim3A_0 : memref<56x8xf32, #tpu.memory_space<vmem>>[vector<16xi32>, vector<16xi32>], vector<16xf32>,
    %add3A_142 = arith.constant 256 : i32
    %add3A_143 = vector.broadcast %add3A_142 : i32 to vector<16xi32>
    %add3A_144 = arith.addi %iota3A, %add3A_143 : vector<16xi32>
    %shift_right_arithmetic3A_145 = arith.constant 3 : i32
    %shift_right_arithmetic3A_146 = vector.broadcast %shift_right_arithmetic3A_145 : i32 to vector<16xi32>
    %shift_right_arithmetic3A_147 = arith.shrsi %add3A_144, %shift_right_arithmetic3A_146 : vector<16xi32>
    %and3A_148 = arith.constant 7 : i32
    %and3A_149 = vector.broadcast %and3A_148 : i32 to vector<16xi32>
    %and3A_150 = arith.andi %add3A_144, %and3A_149 : vector<16xi32>
    tpu.vector_store_idx %arg9[%shift_right_arithmetic3A_147, %and3A_150], %broadcast_in_dim3A_0 : memref<56x8xf32, #tpu.memory_space<vmem>>[vector<16xi32>, vector<16xi32>], vector<16xf32>,
    %add3A_151 = arith.constant 272 : i32
    %add3A_152 = vector.broadcast %add3A_151 : i32 to vector<16xi32>
    %add3A_153 = arith.addi %iota3A, %add3A_152 : vector<16xi32>
    %shift_right_arithmetic3A_154 = arith.constant 3 : i32
    %shift_right_arithmetic3A_155 = vector.broadcast %shift_right_arithmetic3A_154 : i32 to vector<16xi32>
    %shift_right_arithmetic3A_156 = arith.shrsi %add3A_153, %shift_right_arithmetic3A_155 : vector<16xi32>
    %and3A_157 = arith.constant 7 : i32
    %and3A_158 = vector.broadcast %and3A_157 : i32 to vector<16xi32>
    %and3A_159 = arith.andi %add3A_153, %and3A_158 : vector<16xi32>
    tpu.vector_store_idx %arg9[%shift_right_arithmetic3A_156, %and3A_159], %broadcast_in_dim3A_0 : memref<56x8xf32, #tpu.memory_space<vmem>>[vector<16xi32>, vector<16xi32>], vector<16xf32>,
    %add3A_160 = arith.constant 288 : i32
    %add3A_161 = vector.broadcast %add3A_160 : i32 to vector<16xi32>
    %add3A_162 = arith.addi %iota3A, %add3A_161 : vector<16xi32>
    %shift_right_arithmetic3A_163 = arith.constant 3 : i32
    %shift_right_arithmetic3A_164 = vector.broadcast %shift_right_arithmetic3A_163 : i32 to vector<16xi32>
    %shift_right_arithmetic3A_165 = arith.shrsi %add3A_162, %shift_right_arithmetic3A_164 : vector<16xi32>
    %and3A_166 = arith.constant 7 : i32
    %and3A_167 = vector.broadcast %and3A_166 : i32 to vector<16xi32>
    %and3A_168 = arith.andi %add3A_162, %and3A_167 : vector<16xi32>
    tpu.vector_store_idx %arg9[%shift_right_arithmetic3A_165, %and3A_168], %broadcast_in_dim3A_0 : memref<56x8xf32, #tpu.memory_space<vmem>>[vector<16xi32>, vector<16xi32>], vector<16xf32>,
    %add3A_169 = arith.constant 304 : i32
    %add3A_170 = vector.broadcast %add3A_169 : i32 to vector<16xi32>
    %add3A_171 = arith.addi %iota3A, %add3A_170 : vector<16xi32>
    %shift_right_arithmetic3A_172 = arith.constant 3 : i32
    %shift_right_arithmetic3A_173 = vector.broadcast %shift_right_arithmetic3A_172 : i32 to vector<16xi32>
    %shift_right_arithmetic3A_174 = arith.shrsi %add3A_171, %shift_right_arithmetic3A_173 : vector<16xi32>
    %and3A_175 = arith.constant 7 : i32
    %and3A_176 = vector.broadcast %and3A_175 : i32 to vector<16xi32>
    %and3A_177 = arith.andi %add3A_171, %and3A_176 : vector<16xi32>
    tpu.vector_store_idx %arg9[%shift_right_arithmetic3A_174, %and3A_177], %broadcast_in_dim3A_0 : memref<56x8xf32, #tpu.memory_space<vmem>>[vector<16xi32>, vector<16xi32>], vector<16xf32>,
    %add3A_178 = arith.constant 320 : i32
    %add3A_179 = vector.broadcast %add3A_178 : i32 to vector<16xi32>
    %add3A_180 = arith.addi %iota3A, %add3A_179 : vector<16xi32>
    %shift_right_arithmetic3A_181 = arith.constant 3 : i32
    %shift_right_arithmetic3A_182 = vector.broadcast %shift_right_arithmetic3A_181 : i32 to vector<16xi32>
    %shift_right_arithmetic3A_183 = arith.shrsi %add3A_180, %shift_right_arithmetic3A_182 : vector<16xi32>
    %and3A_184 = arith.constant 7 : i32
    %and3A_185 = vector.broadcast %and3A_184 : i32 to vector<16xi32>
    %and3A_186 = arith.andi %add3A_180, %and3A_185 : vector<16xi32>
    tpu.vector_store_idx %arg9[%shift_right_arithmetic3A_183, %and3A_186], %broadcast_in_dim3A_0 : memref<56x8xf32, #tpu.memory_space<vmem>>[vector<16xi32>, vector<16xi32>], vector<16xf32>,
    %add3A_187 = arith.constant 336 : i32
    %add3A_188 = vector.broadcast %add3A_187 : i32 to vector<16xi32>
    %add3A_189 = arith.addi %iota3A, %add3A_188 : vector<16xi32>
    %shift_right_arithmetic3A_190 = arith.constant 3 : i32
    %shift_right_arithmetic3A_191 = vector.broadcast %shift_right_arithmetic3A_190 : i32 to vector<16xi32>
    %shift_right_arithmetic3A_192 = arith.shrsi %add3A_189, %shift_right_arithmetic3A_191 : vector<16xi32>
    %and3A_193 = arith.constant 7 : i32
    %and3A_194 = vector.broadcast %and3A_193 : i32 to vector<16xi32>
    %and3A_195 = arith.andi %add3A_189, %and3A_194 : vector<16xi32>
    tpu.vector_store_idx %arg9[%shift_right_arithmetic3A_192, %and3A_195], %broadcast_in_dim3A_0 : memref<56x8xf32, #tpu.memory_space<vmem>>[vector<16xi32>, vector<16xi32>], vector<16xf32>,
    %add3A_196 = arith.constant 352 : i32
    %add3A_197 = vector.broadcast %add3A_196 : i32 to vector<16xi32>
    %add3A_198 = arith.addi %iota3A, %add3A_197 : vector<16xi32>
    %shift_right_arithmetic3A_199 = arith.constant 3 : i32
    %shift_right_arithmetic3A_200 = vector.broadcast %shift_right_arithmetic3A_199 : i32 to vector<16xi32>
    %shift_right_arithmetic3A_201 = arith.shrsi %add3A_198, %shift_right_arithmetic3A_200 : vector<16xi32>
    %and3A_202 = arith.constant 7 : i32
    %and3A_203 = vector.broadcast %and3A_202 : i32 to vector<16xi32>
    %and3A_204 = arith.andi %add3A_198, %and3A_203 : vector<16xi32>
    tpu.vector_store_idx %arg9[%shift_right_arithmetic3A_201, %and3A_204], %broadcast_in_dim3A_0 : memref<56x8xf32, #tpu.memory_space<vmem>>[vector<16xi32>, vector<16xi32>], vector<16xf32>,
    %add3A_205 = arith.constant 368 : i32
    %add3A_206 = vector.broadcast %add3A_205 : i32 to vector<16xi32>
    %add3A_207 = arith.addi %iota3A, %add3A_206 : vector<16xi32>
    %shift_right_arithmetic3A_208 = arith.constant 3 : i32
    %shift_right_arithmetic3A_209 = vector.broadcast %shift_right_arithmetic3A_208 : i32 to vector<16xi32>
    %shift_right_arithmetic3A_210 = arith.shrsi %add3A_207, %shift_right_arithmetic3A_209 : vector<16xi32>
    %and3A_211 = arith.constant 7 : i32
    %and3A_212 = vector.broadcast %and3A_211 : i32 to vector<16xi32>
    %and3A_213 = arith.andi %add3A_207, %and3A_212 : vector<16xi32>
    tpu.vector_store_idx %arg9[%shift_right_arithmetic3A_210, %and3A_213], %broadcast_in_dim3A_0 : memref<56x8xf32, #tpu.memory_space<vmem>>[vector<16xi32>, vector<16xi32>], vector<16xf32>,
    %add3A_214 = arith.constant 384 : i32
    %add3A_215 = vector.broadcast %add3A_214 : i32 to vector<16xi32>
    %add3A_216 = arith.addi %iota3A, %add3A_215 : vector<16xi32>
    %shift_right_arithmetic3A_217 = arith.constant 3 : i32
    %shift_right_arithmetic3A_218 = vector.broadcast %shift_right_arithmetic3A_217 : i32 to vector<16xi32>
    %shift_right_arithmetic3A_219 = arith.shrsi %add3A_216, %shift_right_arithmetic3A_218 : vector<16xi32>
    %and3A_220 = arith.constant 7 : i32
    %and3A_221 = vector.broadcast %and3A_220 : i32 to vector<16xi32>
    %and3A_222 = arith.andi %add3A_216, %and3A_221 : vector<16xi32>
    tpu.vector_store_idx %arg9[%shift_right_arithmetic3A_219, %and3A_222], %broadcast_in_dim3A_0 : memref<56x8xf32, #tpu.memory_space<vmem>>[vector<16xi32>, vector<16xi32>], vector<16xf32>,
    %add3A_223 = arith.constant 400 : i32
    %add3A_224 = vector.broadcast %add3A_223 : i32 to vector<16xi32>
    %add3A_225 = arith.addi %iota3A, %add3A_224 : vector<16xi32>
    %shift_right_arithmetic3A_226 = arith.constant 3 : i32
    %shift_right_arithmetic3A_227 = vector.broadcast %shift_right_arithmetic3A_226 : i32 to vector<16xi32>
    %shift_right_arithmetic3A_228 = arith.shrsi %add3A_225, %shift_right_arithmetic3A_227 : vector<16xi32>
    %and3A_229 = arith.constant 7 : i32
    %and3A_230 = vector.broadcast %and3A_229 : i32 to vector<16xi32>
    %and3A_231 = arith.andi %add3A_225, %and3A_230 : vector<16xi32>
    tpu.vector_store_idx %arg9[%shift_right_arithmetic3A_228, %and3A_231], %broadcast_in_dim3A_0 : memref<56x8xf32, #tpu.memory_space<vmem>>[vector<16xi32>, vector<16xi32>], vector<16xf32>,
    %add3A_232 = arith.constant 416 : i32
    %add3A_233 = vector.broadcast %add3A_232 : i32 to vector<16xi32>
    %add3A_234 = arith.addi %iota3A, %add3A_233 : vector<16xi32>
    %shift_right_arithmetic3A_235 = arith.constant 3 : i32
    %shift_right_arithmetic3A_236 = vector.broadcast %shift_right_arithmetic3A_235 : i32 to vector<16xi32>
    %shift_right_arithmetic3A_237 = arith.shrsi %add3A_234, %shift_right_arithmetic3A_236 : vector<16xi32>
    %and3A_238 = arith.constant 7 : i32
    %and3A_239 = vector.broadcast %and3A_238 : i32 to vector<16xi32>
    %and3A_240 = arith.andi %add3A_234, %and3A_239 : vector<16xi32>
    tpu.vector_store_idx %arg9[%shift_right_arithmetic3A_237, %and3A_240], %broadcast_in_dim3A_0 : memref<56x8xf32, #tpu.memory_space<vmem>>[vector<16xi32>, vector<16xi32>], vector<16xf32>,
    %add3A_241 = arith.constant 432 : i32
    %add3A_242 = vector.broadcast %add3A_241 : i32 to vector<16xi32>
    %add3A_243 = arith.addi %iota3A, %add3A_242 : vector<16xi32>
    %shift_right_arithmetic3A_244 = arith.constant 3 : i32
    %shift_right_arithmetic3A_245 = vector.broadcast %shift_right_arithmetic3A_244 : i32 to vector<16xi32>
    %shift_right_arithmetic3A_246 = arith.shrsi %add3A_243, %shift_right_arithmetic3A_245 : vector<16xi32>
    %and3A_247 = arith.constant 7 : i32
    %and3A_248 = vector.broadcast %and3A_247 : i32 to vector<16xi32>
    %and3A_249 = arith.andi %add3A_243, %and3A_248 : vector<16xi32>
    tpu.vector_store_idx %arg9[%shift_right_arithmetic3A_246, %and3A_249], %broadcast_in_dim3A_0 : memref<56x8xf32, #tpu.memory_space<vmem>>[vector<16xi32>, vector<16xi32>], vector<16xf32>,
    tpu.wait_dma2 semaphore(%arg10 : memref<!tpu.dma_semaphore, #tpu.memory_space<semaphore_mem>>) src(%arg2 : memref<256xi32, #tpu.memory_space<hbm>>) dst(%arg6 : memref<256xi32, #tpu.memory_space<vmem>>)
    tpu.wait_dma2 semaphore(%arg10 : memref<!tpu.dma_semaphore, #tpu.memory_space<semaphore_mem>>) src(%arg3 : memref<256xi32, #tpu.memory_space<hbm>>) dst(%arg7 : memref<256xi32, #tpu.memory_space<vmem>>)
    tpu.wait_dma2 semaphore(%arg10 : memref<!tpu.dma_semaphore, #tpu.memory_space<semaphore_mem>>) src(%arg4 : memref<256xf32, #tpu.memory_space<hbm>>) dst(%arg8 : memref<256xf32, #tpu.memory_space<vmem>>)
    %get3A = arith.constant 0 : index
    %get3A_250 = tpu.vector_load %arg6[%get3A] {strides = array<i32>} : memref<256xi32, #tpu.memory_space<vmem>>, vector<16xi32>,
    %get3A_251 = arith.constant 0 : index
    %get3A_252 = tpu.vector_load %arg7[%get3A_251] {strides = array<i32>} : memref<256xi32, #tpu.memory_space<vmem>>, vector<16xi32>,
    %get3A_253 = arith.constant 0 : index
    %get3A_254 = tpu.vector_load %arg8[%get3A_253] {strides = array<i32>} : memref<256xf32, #tpu.memory_space<vmem>>, vector<16xf32>,
    %sub3A = arith.constant 8 : i32
    %sub3A_255 = vector.broadcast %sub3A : i32 to vector<16xi32>
    %sub3A_256 = arith.subi %get3A_252, %sub3A_255 : vector<16xi32>
    tpu.vector_store_idx %arg9[%sub3A_256, %get3A_250], %get3A_254 {add = true} : memref<56x8xf32, #tpu.memory_space<vmem>>[vector<16xi32>, vector<16xi32>], vector<16xf32>,
    %get3A_257 = arith.constant 16 : index
    %get3A_258 = tpu.vector_load %arg6[%get3A_257] {strides = array<i32>} : memref<256xi32, #tpu.memory_space<vmem>>, vector<16xi32>,
    %get3A_259 = arith.constant 16 : index
    %get3A_260 = tpu.vector_load %arg7[%get3A_259] {strides = array<i32>} : memref<256xi32, #tpu.memory_space<vmem>>, vector<16xi32>,
    %get3A_261 = arith.constant 16 : index
    %get3A_262 = tpu.vector_load %arg8[%get3A_261] {strides = array<i32>} : memref<256xf32, #tpu.memory_space<vmem>>, vector<16xf32>,
    %sub3A_263 = arith.constant 8 : i32
    %sub3A_264 = vector.broadcast %sub3A_263 : i32 to vector<16xi32>
    %sub3A_265 = arith.subi %get3A_260, %sub3A_264 : vector<16xi32>
    tpu.vector_store_idx %arg9[%sub3A_265, %get3A_258], %get3A_262 {add = true} : memref<56x8xf32, #tpu.memory_space<vmem>>[vector<16xi32>, vector<16xi32>], vector<16xf32>,
    %get3A_266 = arith.constant 32 : index
    %get3A_267 = tpu.vector_load %arg6[%get3A_266] {strides = array<i32>} : memref<256xi32, #tpu.memory_space<vmem>>, vector<16xi32>,
    %get3A_268 = arith.constant 32 : index
    %get3A_269 = tpu.vector_load %arg7[%get3A_268] {strides = array<i32>} : memref<256xi32, #tpu.memory_space<vmem>>, vector<16xi32>,
    %get3A_270 = arith.constant 32 : index
    %get3A_271 = tpu.vector_load %arg8[%get3A_270] {strides = array<i32>} : memref<256xf32, #tpu.memory_space<vmem>>, vector<16xf32>,
    %sub3A_272 = arith.constant 8 : i32
    %sub3A_273 = vector.broadcast %sub3A_272 : i32 to vector<16xi32>
    %sub3A_274 = arith.subi %get3A_269, %sub3A_273 : vector<16xi32>
    tpu.vector_store_idx %arg9[%sub3A_274, %get3A_267], %get3A_271 {add = true} : memref<56x8xf32, #tpu.memory_space<vmem>>[vector<16xi32>, vector<16xi32>], vector<16xf32>,
    %get3A_275 = arith.constant 48 : index
    %get3A_276 = tpu.vector_load %arg6[%get3A_275] {strides = array<i32>} : memref<256xi32, #tpu.memory_space<vmem>>, vector<16xi32>,
    %get3A_277 = arith.constant 48 : index
    %get3A_278 = tpu.vector_load %arg7[%get3A_277] {strides = array<i32>} : memref<256xi32, #tpu.memory_space<vmem>>, vector<16xi32>,
    %get3A_279 = arith.constant 48 : index
    %get3A_280 = tpu.vector_load %arg8[%get3A_279] {strides = array<i32>} : memref<256xf32, #tpu.memory_space<vmem>>, vector<16xf32>,
    %sub3A_281 = arith.constant 8 : i32
    %sub3A_282 = vector.broadcast %sub3A_281 : i32 to vector<16xi32>
    %sub3A_283 = arith.subi %get3A_278, %sub3A_282 : vector<16xi32>
    tpu.vector_store_idx %arg9[%sub3A_283, %get3A_276], %get3A_280 {add = true} : memref<56x8xf32, #tpu.memory_space<vmem>>[vector<16xi32>, vector<16xi32>], vector<16xf32>,
    %get3A_284 = arith.constant 64 : index
    %get3A_285 = tpu.vector_load %arg6[%get3A_284] {strides = array<i32>} : memref<256xi32, #tpu.memory_space<vmem>>, vector<16xi32>,
    %get3A_286 = arith.constant 64 : index
    %get3A_287 = tpu.vector_load %arg7[%get3A_286] {strides = array<i32>} : memref<256xi32, #tpu.memory_space<vmem>>, vector<16xi32>,
    %get3A_288 = arith.constant 64 : index
    %get3A_289 = tpu.vector_load %arg8[%get3A_288] {strides = array<i32>} : memref<256xf32, #tpu.memory_space<vmem>>, vector<16xf32>,
    %sub3A_290 = arith.constant 8 : i32
    %sub3A_291 = vector.broadcast %sub3A_290 : i32 to vector<16xi32>
    %sub3A_292 = arith.subi %get3A_287, %sub3A_291 : vector<16xi32>
    tpu.vector_store_idx %arg9[%sub3A_292, %get3A_285], %get3A_289 {add = true} : memref<56x8xf32, #tpu.memory_space<vmem>>[vector<16xi32>, vector<16xi32>], vector<16xf32>,
    %get3A_293 = arith.constant 80 : index
    %get3A_294 = tpu.vector_load %arg6[%get3A_293] {strides = array<i32>} : memref<256xi32, #tpu.memory_space<vmem>>, vector<16xi32>,
    %get3A_295 = arith.constant 80 : index
    %get3A_296 = tpu.vector_load %arg7[%get3A_295] {strides = array<i32>} : memref<256xi32, #tpu.memory_space<vmem>>, vector<16xi32>,
    %get3A_297 = arith.constant 80 : index
    %get3A_298 = tpu.vector_load %arg8[%get3A_297] {strides = array<i32>} : memref<256xf32, #tpu.memory_space<vmem>>, vector<16xf32>,
    %sub3A_299 = arith.constant 8 : i32
    %sub3A_300 = vector.broadcast %sub3A_299 : i32 to vector<16xi32>
    %sub3A_301 = arith.subi %get3A_296, %sub3A_300 : vector<16xi32>
    tpu.vector_store_idx %arg9[%sub3A_301, %get3A_294], %get3A_298 {add = true} : memref<56x8xf32, #tpu.memory_space<vmem>>[vector<16xi32>, vector<16xi32>], vector<16xf32>,
    %get3A_302 = arith.constant 96 : index
    %get3A_303 = tpu.vector_load %arg6[%get3A_302] {strides = array<i32>} : memref<256xi32, #tpu.memory_space<vmem>>, vector<16xi32>,
    %get3A_304 = arith.constant 96 : index
    %get3A_305 = tpu.vector_load %arg7[%get3A_304] {strides = array<i32>} : memref<256xi32, #tpu.memory_space<vmem>>, vector<16xi32>,
    %get3A_306 = arith.constant 96 : index
    %get3A_307 = tpu.vector_load %arg8[%get3A_306] {strides = array<i32>} : memref<256xf32, #tpu.memory_space<vmem>>, vector<16xf32>,
    %sub3A_308 = arith.constant 8 : i32
    %sub3A_309 = vector.broadcast %sub3A_308 : i32 to vector<16xi32>
    %sub3A_310 = arith.subi %get3A_305, %sub3A_309 : vector<16xi32>
    tpu.vector_store_idx %arg9[%sub3A_310, %get3A_303], %get3A_307 {add = true} : memref<56x8xf32, #tpu.memory_space<vmem>>[vector<16xi32>, vector<16xi32>], vector<16xf32>,
    %get3A_311 = arith.constant 112 : index
    %get3A_312 = tpu.vector_load %arg6[%get3A_311] {strides = array<i32>} : memref<256xi32, #tpu.memory_space<vmem>>, vector<16xi32>,
    %get3A_313 = arith.constant 112 : index
    %get3A_314 = tpu.vector_load %arg7[%get3A_313] {strides = array<i32>} : memref<256xi32, #tpu.memory_space<vmem>>, vector<16xi32>,
    %get3A_315 = arith.constant 112 : index
    %get3A_316 = tpu.vector_load %arg8[%get3A_315] {strides = array<i32>} : memref<256xf32, #tpu.memory_space<vmem>>, vector<16xf32>,
    %sub3A_317 = arith.constant 8 : i32
    %sub3A_318 = vector.broadcast %sub3A_317 : i32 to vector<16xi32>
    %sub3A_319 = arith.subi %get3A_314, %sub3A_318 : vector<16xi32>
    tpu.vector_store_idx %arg9[%sub3A_319, %get3A_312], %get3A_316 {add = true} : memref<56x8xf32, #tpu.memory_space<vmem>>[vector<16xi32>, vector<16xi32>], vector<16xf32>,
    %get3A_320 = arith.constant 128 : index
    %get3A_321 = tpu.vector_load %arg6[%get3A_320] {strides = array<i32>} : memref<256xi32, #tpu.memory_space<vmem>>, vector<16xi32>,
    %get3A_322 = arith.constant 128 : index
    %get3A_323 = tpu.vector_load %arg7[%get3A_322] {strides = array<i32>} : memref<256xi32, #tpu.memory_space<vmem>>, vector<16xi32>,
    %get3A_324 = arith.constant 128 : index
    %get3A_325 = tpu.vector_load %arg8[%get3A_324] {strides = array<i32>} : memref<256xf32, #tpu.memory_space<vmem>>, vector<16xf32>,
    %sub3A_326 = arith.constant 8 : i32
    %sub3A_327 = vector.broadcast %sub3A_326 : i32 to vector<16xi32>
    %sub3A_328 = arith.subi %get3A_323, %sub3A_327 : vector<16xi32>
    tpu.vector_store_idx %arg9[%sub3A_328, %get3A_321], %get3A_325 {add = true} : memref<56x8xf32, #tpu.memory_space<vmem>>[vector<16xi32>, vector<16xi32>], vector<16xf32>,
    %get3A_329 = arith.constant 144 : index
    %get3A_330 = tpu.vector_load %arg6[%get3A_329] {strides = array<i32>} : memref<256xi32, #tpu.memory_space<vmem>>, vector<16xi32>,
    %get3A_331 = arith.constant 144 : index
    %get3A_332 = tpu.vector_load %arg7[%get3A_331] {strides = array<i32>} : memref<256xi32, #tpu.memory_space<vmem>>, vector<16xi32>,
    %get3A_333 = arith.constant 144 : index
    %get3A_334 = tpu.vector_load %arg8[%get3A_333] {strides = array<i32>} : memref<256xf32, #tpu.memory_space<vmem>>, vector<16xf32>,
    %sub3A_335 = arith.constant 8 : i32
    %sub3A_336 = vector.broadcast %sub3A_335 : i32 to vector<16xi32>
    %sub3A_337 = arith.subi %get3A_332, %sub3A_336 : vector<16xi32>
    tpu.vector_store_idx %arg9[%sub3A_337, %get3A_330], %get3A_334 {add = true} : memref<56x8xf32, #tpu.memory_space<vmem>>[vector<16xi32>, vector<16xi32>], vector<16xf32>,
    %get3A_338 = arith.constant 160 : index
    %get3A_339 = tpu.vector_load %arg6[%get3A_338] {strides = array<i32>} : memref<256xi32, #tpu.memory_space<vmem>>, vector<16xi32>,
    %get3A_340 = arith.constant 160 : index
    %get3A_341 = tpu.vector_load %arg7[%get3A_340] {strides = array<i32>} : memref<256xi32, #tpu.memory_space<vmem>>, vector<16xi32>,
    %get3A_342 = arith.constant 160 : index
    %get3A_343 = tpu.vector_load %arg8[%get3A_342] {strides = array<i32>} : memref<256xf32, #tpu.memory_space<vmem>>, vector<16xf32>,
    %sub3A_344 = arith.constant 8 : i32
    %sub3A_345 = vector.broadcast %sub3A_344 : i32 to vector<16xi32>
    %sub3A_346 = arith.subi %get3A_341, %sub3A_345 : vector<16xi32>
    tpu.vector_store_idx %arg9[%sub3A_346, %get3A_339], %get3A_343 {add = true} : memref<56x8xf32, #tpu.memory_space<vmem>>[vector<16xi32>, vector<16xi32>], vector<16xf32>,
    %get3A_347 = arith.constant 176 : index
    %get3A_348 = tpu.vector_load %arg6[%get3A_347] {strides = array<i32>} : memref<256xi32, #tpu.memory_space<vmem>>, vector<16xi32>,
    %get3A_349 = arith.constant 176 : index
    %get3A_350 = tpu.vector_load %arg7[%get3A_349] {strides = array<i32>} : memref<256xi32, #tpu.memory_space<vmem>>, vector<16xi32>,
    %get3A_351 = arith.constant 176 : index
    %get3A_352 = tpu.vector_load %arg8[%get3A_351] {strides = array<i32>} : memref<256xf32, #tpu.memory_space<vmem>>, vector<16xf32>,
    %sub3A_353 = arith.constant 8 : i32
    %sub3A_354 = vector.broadcast %sub3A_353 : i32 to vector<16xi32>
    %sub3A_355 = arith.subi %get3A_350, %sub3A_354 : vector<16xi32>
    tpu.vector_store_idx %arg9[%sub3A_355, %get3A_348], %get3A_352 {add = true} : memref<56x8xf32, #tpu.memory_space<vmem>>[vector<16xi32>, vector<16xi32>], vector<16xf32>,
    %get3A_356 = arith.constant 192 : index
    %get3A_357 = tpu.vector_load %arg6[%get3A_356] {strides = array<i32>} : memref<256xi32, #tpu.memory_space<vmem>>, vector<16xi32>,
    %get3A_358 = arith.constant 192 : index
    %get3A_359 = tpu.vector_load %arg7[%get3A_358] {strides = array<i32>} : memref<256xi32, #tpu.memory_space<vmem>>, vector<16xi32>,
    %get3A_360 = arith.constant 192 : index
    %get3A_361 = tpu.vector_load %arg8[%get3A_360] {strides = array<i32>} : memref<256xf32, #tpu.memory_space<vmem>>, vector<16xf32>,
    %sub3A_362 = arith.constant 8 : i32
    %sub3A_363 = vector.broadcast %sub3A_362 : i32 to vector<16xi32>
    %sub3A_364 = arith.subi %get3A_359, %sub3A_363 : vector<16xi32>
    tpu.vector_store_idx %arg9[%sub3A_364, %get3A_357], %get3A_361 {add = true} : memref<56x8xf32, #tpu.memory_space<vmem>>[vector<16xi32>, vector<16xi32>], vector<16xf32>,
    %get3A_365 = arith.constant 208 : index
    %get3A_366 = tpu.vector_load %arg6[%get3A_365] {strides = array<i32>} : memref<256xi32, #tpu.memory_space<vmem>>, vector<16xi32>,
    %get3A_367 = arith.constant 208 : index
    %get3A_368 = tpu.vector_load %arg7[%get3A_367] {strides = array<i32>} : memref<256xi32, #tpu.memory_space<vmem>>, vector<16xi32>,
    %get3A_369 = arith.constant 208 : index
    %get3A_370 = tpu.vector_load %arg8[%get3A_369] {strides = array<i32>} : memref<256xf32, #tpu.memory_space<vmem>>, vector<16xf32>,
    %sub3A_371 = arith.constant 8 : i32
    %sub3A_372 = vector.broadcast %sub3A_371 : i32 to vector<16xi32>
    %sub3A_373 = arith.subi %get3A_368, %sub3A_372 : vector<16xi32>
    tpu.vector_store_idx %arg9[%sub3A_373, %get3A_366], %get3A_370 {add = true} : memref<56x8xf32, #tpu.memory_space<vmem>>[vector<16xi32>, vector<16xi32>], vector<16xf32>,
    %get3A_374 = arith.constant 224 : index
    %get3A_375 = tpu.vector_load %arg6[%get3A_374] {strides = array<i32>} : memref<256xi32, #tpu.memory_space<vmem>>, vector<16xi32>,
    %get3A_376 = arith.constant 224 : index
    %get3A_377 = tpu.vector_load %arg7[%get3A_376] {strides = array<i32>} : memref<256xi32, #tpu.memory_space<vmem>>, vector<16xi32>,
    %get3A_378 = arith.constant 224 : index
    %get3A_379 = tpu.vector_load %arg8[%get3A_378] {strides = array<i32>} : memref<256xf32, #tpu.memory_space<vmem>>, vector<16xf32>,
    %sub3A_380 = arith.constant 8 : i32
    %sub3A_381 = vector.broadcast %sub3A_380 : i32 to vector<16xi32>
    %sub3A_382 = arith.subi %get3A_377, %sub3A_381 : vector<16xi32>
    tpu.vector_store_idx %arg9[%sub3A_382, %get3A_375], %get3A_379 {add = true} : memref<56x8xf32, #tpu.memory_space<vmem>>[vector<16xi32>, vector<16xi32>], vector<16xf32>,
    %get3A_383 = arith.constant 240 : index
    %get3A_384 = tpu.vector_load %arg6[%get3A_383] {strides = array<i32>} : memref<256xi32, #tpu.memory_space<vmem>>, vector<16xi32>,
    %get3A_385 = arith.constant 240 : index
    %get3A_386 = tpu.vector_load %arg7[%get3A_385] {strides = array<i32>} : memref<256xi32, #tpu.memory_space<vmem>>, vector<16xi32>,
    %get3A_387 = arith.constant 240 : index
    %get3A_388 = tpu.vector_load %arg8[%get3A_387] {strides = array<i32>} : memref<256xf32, #tpu.memory_space<vmem>>, vector<16xf32>,
    %sub3A_389 = arith.constant 8 : i32
    %sub3A_390 = vector.broadcast %sub3A_389 : i32 to vector<16xi32>
    %sub3A_391 = arith.subi %get3A_386, %sub3A_390 : vector<16xi32>
    tpu.vector_store_idx %arg9[%sub3A_391, %get3A_384], %get3A_388 {add = true} : memref<56x8xf32, #tpu.memory_space<vmem>>[vector<16xi32>, vector<16xi32>], vector<16xf32>,
    "tpu.region"() ({
      %run_scoped3A = tpu.sem_alloc : memref<!tpu.dma_semaphore, #tpu.memory_space<semaphore_mem>>
      tpu.enqueue_dma source(%arg9 : memref<56x8xf32, #tpu.memory_space<vmem>>) target(%arg5 : memref<56x8xf32, #tpu.memory_space<hbm>>) target_semaphore(%run_scoped3A : memref<!tpu.dma_semaphore, #tpu.memory_space<semaphore_mem>>)
      tpu.wait_dma2 semaphore(%run_scoped3A : memref<!tpu.dma_semaphore, #tpu.memory_space<semaphore_mem>>) src(%arg9 : memref<56x8xf32, #tpu.memory_space<vmem>>) dst(%arg5 : memref<56x8xf32, #tpu.memory_space<hbm>>)
      tpu.yield
    }) : () -> ()
    return
  }
}

module attributes {stable_mosaic.version = 14 : i64} {
  func.func @_dense_body(%arg0: i32, %arg1: memref<56x8xf32, #tpu.memory_space<vmem>>, %arg2: memref<1x65536xf32, #tpu.memory_space<vmem>>, %arg3: memref<1x65536xf32, #tpu.memory_space<vmem>>, %arg4: memref<6x65536xf32, #tpu.memory_space<vmem>>, %arg5: memref<56x65536xf32, #tpu.memory_space<vmem>>) attributes {dimension_semantics = [#tpu.dimension_semantics<arbitrary>], iteration_bounds = array<i64: 4>, scalar_prefetch = 0 : i64, scratch_operands = 0 : i64, tpu.core_type = #tpu.core_type<tc>, window_params = [{pipeline_mode = #tpu.pipeline_mode<synchronous>, transform_indices = @transform_0, window_bounds = array<i64: 56, 8>}, {transform_indices = @transform_1, window_bounds = array<i64: 1, 65536>}, {transform_indices = @transform_2, window_bounds = array<i64: 1, 65536>}, {transform_indices = @transform_3, window_bounds = array<i64: 6, 65536>}, {transform_indices = @transform_4, window_bounds = array<i64: 56, 65536>}]} {
    %get3A = arith.constant 0 : index
    %get3A_0 = arith.constant 0 : index
    %get3A_1 = vector.load %arg2[%get3A, %get3A_0] : memref<1x65536xf32, #tpu.memory_space<vmem>>, vector<1x65536xf32>
    %get3A_2 = arith.constant 0 : index
    %get3A_3 = arith.constant 0 : index
    %get3A_4 = vector.load %arg3[%get3A_2, %get3A_3] : memref<1x65536xf32, #tpu.memory_space<vmem>>, vector<1x65536xf32>
    %get3A_5 = arith.constant 0 : index
    %get3A_6 = arith.constant 0 : index
    %get3A_7 = vector.load %arg4[%get3A_5, %get3A_6] : memref<6x65536xf32, #tpu.memory_space<vmem>>, vector<6x65536xf32>
    %concatenate3A = tpu.concatenate %get3A_1, %get3A_4, %get3A_7 in 0 : vector<1x65536xf32>, vector<1x65536xf32>, vector<6x65536xf32> -> vector<8x65536xf32>
    %get3A_8 = arith.constant 0 : index
    %get3A_9 = arith.constant 0 : index
    %get3A_10 = vector.load %arg1[%get3A_8, %get3A_9] : memref<56x8xf32, #tpu.memory_space<vmem>>, vector<56x8xf32>
    %dot_general3A = arith.constant dense<0.000000e+00> : vector<56x65536xf32>
    %dot_general3A_11 = tpu.matmul %get3A_10, %concatenate3A, %dot_general3A {dimension_numbers = #tpu.dot_dimension_numbers<[1], [0], [0], [1], [0, 0, 1, 1], [], []>, transpose_lhs_hint = false} : vector<56x8xf32>, vector<8x65536xf32>, vector<56x65536xf32> -> vector<56x65536xf32>
    %swap3A = arith.constant 0 : index
    %swap3A_12 = arith.constant 0 : index
    %swap3A_13 = vector.load %arg5[%swap3A, %swap3A_12] : memref<56x65536xf32, #tpu.memory_space<vmem>>, vector<56x65536xf32>
    tpu.vector_store %arg5[%swap3A, %swap3A_12], %dot_general3A_11 {strides = array<i32>} : memref<56x65536xf32, #tpu.memory_space<vmem>>, vector<56x65536xf32>,
    return
  }
  func.func @transform_0(%arg0: i32) -> (i32, i32) {
    %c0_i32 = arith.constant 0 : i32
    %c0_i32_0 = arith.constant 0 : i32
    %c0_i32_1 = arith.constant 0 : i32
    return %c0_i32, %c0_i32_0 : i32, i32
  }
  func.func @transform_1(%arg0: i32) -> (i32, i32) {
    %c0_i32 = arith.constant 0 : i32
    %c0_i32_0 = arith.constant 0 : i32
    return %c0_i32, %arg0 : i32, i32
  }
  func.func @transform_2(%arg0: i32) -> (i32, i32) {
    %c0_i32 = arith.constant 0 : i32
    %c0_i32_0 = arith.constant 0 : i32
    return %c0_i32, %arg0 : i32, i32
  }
  func.func @transform_3(%arg0: i32) -> (i32, i32) {
    %c0_i32 = arith.constant 0 : i32
    %c0_i32_0 = arith.constant 0 : i32
    return %c0_i32, %arg0 : i32, i32
  }
  func.func @transform_4(%arg0: i32) -> (i32, i32) {
    %c0_i32 = arith.constant 0 : i32
    %c0_i32_0 = arith.constant 0 : i32
    return %c0_i32, %arg0 : i32, i32
  }
}

</mosaic_0001>

<sc_bundles>
// kernel: kernel.4.cloned.1.call-start
scs
__scs_entry_jumppad:
0x0: {  	(pc) =	sbr.rel $0x88, $3  }
0x1: {  	(tag) =	ssettag $0x0;
	lr =	simm.s32 $0x1  }
0x2: {  	[smem:$0x3F9B] =	sst lr;
	_ =	strace $0xD0000000  }
0x3: {  	_ = 	snop  }
0x4: {  	_ = 	snop  }
0x5: {  	_ = 	snop  }
0x6: {  	_ = 	snop  }
0x7: {  	_ = 	snop  }
__scs_overlays_trampoline_lowered:
0x8: {  	[smem:$0x3FAA] =	sst s0  }
0x9: {  	[smem:$0x3FAB] =	sst s1  }
0xa: {  	[smem:$0x3FAC] =	sst s2  }
0xb: {  	[smem:$0x3FAD] =	sst s3  }
0xc: {  	[smem:$0x3FAE] =	sst s4  }
0xd: {  	[smem:$0x3FAF] =	sst s5  }
0xe: {  	[smem:$0x3FB0] =	sst s6  }
0xf: {  	[smem:$0x3FB1] =	sst s7  }
0x10: {  	[smem:$0x3FB2] =	sst s8  }
0x11: {  	[smem:$0x3FB3] =	sst s9;
	s0 =	simm.s32 @!p0 $0x0  }
0x12: {  	s1 =	sld [smem:$0x3F99];
	s0 =	simm.s32 @p0 $0x1  }
0x13: {  	[smem:$0x3FB4] =	sst s0;
	s0 =	simm.s32 @!p1 $0x0  }
0x14: {  	s2 =	sld [smem:$0x3F98];
	s0 =	simm.s32 @p1 $0x1  }
0x15: {  	[smem:$0x3FB5] =	sst s0;
	s0 =	simm.s32 @!p2 $0x0  }
0x16: {  	s3 =	sld [smem:$0x3FDB];
	s0 =	simm.s32 @p2 $0x1  }
0x17: {  	s4 =	simm.s32 $0x1BF5;
	[smem:$0x3FB7] =	sst s0  }
0x18: {  	s0 =	sld [smem:$0x3F9A];
	_ =	swait.ge [sflag:s4], $0x0  }
0x19: {  	s7 =	sld [smem:$0x3F9B]  }
0x1a: {  	s8 =	sadd.s32 $0xFFFFE003, lr  }
0x1b: {  	s9 =	sadd.s32 $0xFFFFFEF7, lr;
	s5 =	simm.s32 $0xFFFFFFFF;
	p2 =	slt.u32 s8, $0xFFFFF086  }
0x1c: {  	p1 =	slt.u32 s9, $0xF7A;
	s5 =	simm.s32 @!p2 $0x0  }
0x1d: {  	s5 =	simm.s32 @p1 $0x1;
	p0 =	seq.s32 s7, s2  }
0x1e: {  	s7 =	smul.u32 @!p0 $0xF7A, s2;
	p2 =	seq.s32 @!p0 s5, $0x0  }
0x1f: {  	s9 =	smul.u32 $0xF7A, s1;
	s8 =	simm.s32 @!p0 $0x1BF5;
	p2 =	por !p2, p0  }
0x20: {  	[sflag:s8] =	ssyncset.s32 @!p0 $0xFFFFF086;
	s6 =	sadd.s32 @!p0 s3, s7;
	s7 =	simm.s32 @!p0 $0x108  }
0x21: {  	s3 =	sadd.s32 s3, s9;
	s6 =	sadd.s32 @!p0 $0x88, s6;
	s7 =	simm.s32 @p2 $0x1082  }
0x22: {  	[simem:s7], [sflag:s8] =	dma.local @!p0 [hbm:s6], $0xF7A  }
0x23: {  	s9 =	sor.u32 $0xD0000000, s2;
	s6 =	simm.s32 $0x108;
	_ =	swait.ge @!p0 [sflag:s8], $0x0  }
0x24: {  	s3 =	sadd.s32 $0x88, s3;
	s6 =	simm.s32 @!p1 $0x1082;
	[sflag:s4] =	ssyncset.s32 $0xFFFFF086  }
0x25: {  	[simem:s6], [sflag:s4] =	dma.local [hbm:s3], $0xF7A  }
0x26: {  	[smem:$0x3F9B] =	sst s1;
	(tag) =	ssettag s2;
	_ =	strace s9  }
0x27: {  	s1 =	sld [smem:$0x3FAB]  }
0x28: {  	s2 =	sld [smem:$0x3FAC]  }
0x29: {  	s4 =	sld [smem:$0x3FAE]  }
0x2a: {  	p0 =	seq.s32 s5, $0x0;
	s5 =	sld [smem:$0x3FAF]  }
0x2b: {  	s6 =	sld [smem:$0x3FB0]  }
0x2c: {  	s7 =	sld [smem:$0x3FB1]  }
0x2d: {  	s3 =	simm.s32 $0x108;
	s8 =	sld [smem:$0x3FB2]  }
0x2e: {  	s3 =	simm.s32 @!p0 $0x1082;
	s9 =	sld [smem:$0x3FB3]  }
0x2f: {  	lr =	sadd.s32 s0, s3;
	s0 =	sld [smem:$0x3FAA]  }
0x30: {  	s3 =	sld [smem:$0x3FAD]  }
0x31: {  	[smem:$0x3FB6] =	sst s10  }
0x32: {  	s10 =	sld [smem:$0x3FB4];
	_ =	sdelay $0x3  }
0x33: {  	p0 =	seq.s32 s10, $0x1;
	s10 =	sld [smem:$0x3FB6];
	_ =	sdelay $0x3  }
0x34: {  	[smem:$0x3FB6] =	sst s10  }
0x35: {  	s10 =	sld [smem:$0x3FB5];
	_ =	sdelay $0x3  }
0x36: {  	p1 =	seq.s32 s10, $0x1;
	s10 =	sld [smem:$0x3FB6];
	_ =	sdelay $0x3  }
0x37: {  	[smem:$0x3FB6] =	sst s10  }
0x38: {  	s10 =	sld [smem:$0x3FB7]  }
0x39: {  	_ = 	snop;
	(pc) =	sbr.ind lr, $3  }
0x3a: {  	_ = 	snop  }
0x3b: {  	_ = 	snop  }
0x3c: {  	p2 =	seq.s32 s10, $0x1;
	s10 =	sld [smem:$0x3FB6]  }
0x3d: {  	_ =	shalt  }
0x3e: {  	_ =	shalt  }
0x3f: {  	_ =	shalt  }
0x40: {  	_ =	shalt  }
0x41: {  	_ =	shalt  }
0x42: {  	_ =	shalt  }
0x43: {  	_ =	shalt  }
0x44: {  	_ =	shalt  }
0x45: {  	_ =	shalt  }
0x46: {  	_ =	shalt  }
0x47: {  	_ =	shalt  }
0x48: {  	_ =	shalt  }
0x49: {  	_ =	shalt  }
0x4a: {  	_ =	shalt  }
0x4b: {  	_ =	shalt  }
0x4c: {  	_ =	shalt  }
0x4d: {  	_ =	shalt  }
0x4e: {  	_ =	shalt  }
0x4f: {  	_ =	shalt  }
0x50: {  	_ =	shalt  }
0x51: {  	_ =	shalt  }
0x52: {  	_ =	shalt  }
0x53: {  	_ =	shalt  }
0x54: {  	_ =	shalt  }
0x55: {  	_ =	shalt  }
0x56: {  	_ =	shalt  }
0x57: {  	_ =	shalt  }
0x58: {  	_ =	shalt  }
0x59: {  	_ =	shalt  }
0x5a: {  	_ =	shalt  }
0x5b: {  	_ =	shalt  }
0x5c: {  	_ =	shalt  }
0x5d: {  	_ =	shalt  }
0x5e: {  	_ =	shalt  }
0x5f: {  	_ =	shalt  }
0x60: {  	_ =	shalt  }
0x61: {  	_ =	shalt  }
0x62: {  	_ =	shalt  }
0x63: {  	_ =	shalt  }
0x64: {  	_ =	shalt  }
0x65: {  	_ =	shalt  }
0x66: {  	_ =	shalt  }
0x67: {  	_ =	shalt  }
0x68: {  	_ =	shalt  }
0x69: {  	_ =	shalt  }
0x6a: {  	_ =	shalt  }
0x6b: {  	_ =	shalt  }
0x6c: {  	_ =	shalt  }
0x6d: {  	_ =	shalt  }
0x6e: {  	_ =	shalt  }
0x6f: {  	_ =	shalt  }
0x70: {  	_ =	shalt  }
0x71: {  	_ =	shalt  }
0x72: {  	_ =	shalt  }
0x73: {  	_ =	shalt  }
0x74: {  	_ =	shalt  }
0x75: {  	_ =	shalt  }
0x76: {  	_ =	shalt  }
0x77: {  	_ =	shalt  }
0x78: {  	_ =	shalt  }
0x79: {  	_ =	shalt  }
0x7a: {  	_ =	shalt  }
0x7b: {  	_ =	shalt  }
0x7c: {  	_ =	shalt  }
0x7d: {  	_ =	shalt  }
0x7e: {  	_ =	shalt  }
0x7f: {  	_ =	shalt  }
0x80: {  	_ =	shalt  }
0x81: {  	_ =	shalt  }
0x82: {  	_ =	shalt  }
0x83: {  	_ =	shalt  }
0x84: {  	_ =	shalt  }
0x85: {  	_ =	shalt  }
0x86: {  	_ =	shalt  }
0x87: {  	_ =	shalt  }
.Lfunc_end0:
.L_simem_size_0:
called_computation_lowered:
.L_overlay_start_0:
0x88: {  	s0 =	sld [smem:$0x3FD9]  }
0x89: {  	s1 =	sld [smem:$0x3FFE];
	_ =	sdelay $0x3  }
0x8a: {  	s0 =	sadd.s32 s1, s0  }
0x8b: {  	[smem:$0x3FC2] =	sst s0  }
0x8c: {  	_ = 	snop  }
0x8d: {  	s0 =	sld [smem:$0x3FC6]  }
0x8e: {  	s17 =	sld [smem:$0x3FC5]  }
0x8f: {  	s2 =	sld [smem:$0x3FC4]  }
0x90: {  	s3 =	sld [smem:$0x3FD0];
	(tm) =	ssettm $0x1  }
0x91: {  	s4 =	sld [smem:$0x3FFB];
	_ =	sdelay $0x3  }
0x92: {  	_ =	strace s4  }
0x93: {  	s4 =	sld [smem:$0x3FFC];
	_ =	sdelay $0x3  }
0x94: {  	_ =	strace s4  }
0x95: {  	s4 =	sld [smem:$0x3FFD];
	_ =	sdelay $0x3  }
0x96: {  	_ =	strace s4  }
0x97: {  	_ =	strace $0x8FFFFFFF  }
0x98: {  	s18 =	sld [smem:$0x3FDB];
	_ =	sdelay $0x1  }
0x99: {  	s5 =	simm.s32 $_scs_section_size  }
0x9a: {  	s6 =	simm.s32 $_size__tile_overlayer_lowered;
	s7 =	simm.s32 $_tile_overlayer_lowered  }
0x9b: {  	s21 =	simm.s32 $0x1BFF;
	s20 =	sshll.u32 s7, $0x1;
	s4 =	sadd.s32 s5, s18  }
0x9c: {  	s8 =	simm.s32 $0x0;
	s19 =	sshll.u32 s6, $0x1;
	s6 =	sadd.s32 s20, s4  }
0x9d: {  	[timem:s8], [sflag:s21] =	dma.local [hbm:s6], s19  }
0x9e: {  	_ =	swait.ge [sflag:s21], s19  }
0x9f: {  	s5 =	ssub.s32 $0x0, s19;
	[sflag:s21] =	ssyncset.done $0x0  }
0xa0: {  	[sflag:s21] =	ssyncadd.s32 s5;
	_ =	sdelay $0x1  }
0xa1: {  	s22 =	simm.s32 $0x1B8B  }
0xa2: {  	_ =	swait.ge [sflag:s22], $0x1  }
0xa3: {  	[sflag:s22] =	ssyncset.done $0x0  }
0xa4: {  	s23 =	simm.s32 $0x1B8E;
	[sflag:s22] =	ssyncadd.s32 $0xFFFFFFFF  }
0xa5: {  	s24 =	simm.s32 $execute0_lowered;
	[smem:$0x3FD2] =	sst s23  }
0xa6: {  	s5 =	sshll.u32 s24, $0x1;
	_ =	strace $0x80000046;
	[dreg:$0x1] =	wrdreg $0xFFFFFFFF  }
0xa7: {  	s25 =	simm.s32 $_size_execute0_lowered;
	s4 =	sadd.s32 s4, s5;
	[dreg:$0x0] =	wrdreg $0x0  }
0xa8: {  	s5 =	sshll.u32 s25, $0x1;
	[dreg:$0x2] =	wrdreg s4  }
0xa9: {  	[dreg:$0x3] =	wrdreg s5  }
0xaa: {  	[dreg:$0x4] =	wrdreg $0xC0  }
0xab: {  	_ =	task [dreg:s8], $0x5FFFF  }
0xac: {  	[dreg:$0x1] =	wrdreg $0xFFFFFFFF  }
0xad: {  	[dreg:$0x0] =	wrdreg $0x60  }
0xae: {  	[dreg:$0x2] =	wrdreg s17  }
0xaf: {  	[dreg:$0x3] =	wrdreg s2  }
0xb0: {  	[dreg:$0x4] =	wrdreg s0  }
0xb1: {  	[dreg:$0x5] =	wrdreg s3  }
0xb2: {  	[dreg:$0x6] =	wrdreg $0x9  }
0xb3: {  	_ =	task.clear_ibuf [dreg:s8], $0x7FFFF;
	_ =	strace $0x90000046  }
0xb4: {  	s26 =	simm.s32 $0x9;
	_ =	strace $0x80000048  }
0xb5: {  	_ =	swait.ge [sflag:s26], $0x1  }
0xb6: {  	[sflag:s26] =	ssyncadd.s32 $0xFFFFFFFF  }
0xb7: {  	_ =	strace $0x90000048  }
0xb8: {  	_ =	sfence  }
0xb9: {  	s28 =	sld [smem:$0x0];
	_ =	sdelay $0x1  }
0xba: {  	s29 =	srdreg.scid  }
0xbb: {  	s30 =	sshll.u32 s29, $0xD;
	s31 =	sshrl.u32 s29, $0x2  }
0xbc: {  	s1 =	sand.u32 $0x1, s29;
	s2 =	sand.u32 $0x4000, s30;
	s0 =	sadd.s32 s31, s28  }
0xbd: {  	s1 =	sor.u32 s2, s1;
	s0 =	sshll.u32 s0, $0x11  }
0xbe: {  	s0 =	sor.u32 s0, s1  }
0xbf: {  	s0 =	sadd.s32 $0x8F2B, s0  }
0xc0: {  	[sflag:s0] =	ssyncadd.remote.s32 $0x1  }
0xc1: {  	_ =	sfence.sel $0xFFFF  }
0xc2: {  	[dreg:$0x0] =	wrdreg $0xFFFFFFFF;
	(pc) =	sbr.abs _section_cstart, $3  }
0xc3: {  	[dreg:$0x1] =	wrdreg $0xFFFFFFFF  }
0xc4: {  	_ =	task.clear_ibuf [dreg:s8], $0x2FFFF;
	_ =	strace $0x9FFFFFFF  }
0xc5: {  	(tm) =	ssettm $0x7FFFFFFF  }
tec
execute0_lowered:
.L_overlay_start_1:
0x0: {  	(tag) =	ssettag $0x1  }
0x1: {  	s5 =	stileid.u32  }
0x2: {  	p0 =	sne.s32 s5, $0x0  }
.Ltmp0:
0x3: {  	s4 =	rddreg [dreg:$0x0];
	(pc) =	sbr.rel @p0 .LBB2_2-.Ltmp0, $4  }
0x4: {  	s3 =	rddreg [dreg:$0x1]  }
0x5: {  	s2 =	rddreg [dreg:$0x2]  }
0x6: {  	s1 =	rddreg [dreg:$0x3]  }
0x7: {  	s0 =	rddreg [dreg:$0x4];
	_ =	strace $0x80000047  }
0x8: {  	v0 =	vimm.s32 $0x83828180;
	v1 =	vimm.s32 $0x87868584;
	v2 =	vimm.s32 $0x187  }
0x9: {  	vm5 =	vcmask $0x300;
	v3 =	vimm.s32 $0x76543210;
	vm7 =	vcmask $0x704  }
0xa: {  	vm0 =	vcmask $0xB08;
	vm2 =	vcmask $0x1F10;
	vm1 =	vcmask $0xF0C  }
0xb: {  	vm6 =	vcmask $0x1310;
	vm8 =	vcmask $0x1714;
	vm4 =	vcmask $0x1B18  }
0xc: {  	vm3 =	vcmask $0x1F1C;
	v55 =	vimm.s32 $0x287;
	v58 =	vimm.s32 $0x387  }
0xd: {  	v4 =	vimm.s32 $0x487;
	v5 =	vimm.s32 $0x587;
	v6 =	vimm.s32 $0x687  }
0xe: {  	v7 =	vimm.s32 $0x787;
	v8 =	vimm.s32 $0x887;
	v9 =	vimm.s32 $0x987  }
0xf: {  	v10 =	vimm.s32 $0xA87;
	v11 =	vimm.s32 $0xB87;
	v12 =	vimm.s32 $0xC87  }
0x10: {  	v13 =	vimm.s32 $0xD87;
	v14 =	vimm.s32 $0xE87;
	v15 =	vimm.s32 $0xF87  }
0x11: {  	v16 =	vimm.s32 $0x1087;
	v17 =	vimm.s32 $0x1187;
	v18 =	vimm.s32 $0x1287  }
0x12: {  	v19 =	vimm.s32 $0x1387;
	v20 =	vimm.s32 $0x1487;
	v21 =	vimm.s32 $0x1587  }
0x13: {  	v22 =	vimm.s32 $0x1687;
	v23 =	vimm.s32 $0x1787;
	v24 =	vimm.s32 $0x1887  }
0x14: {  	v25 =	vimm.s32 $0x1987;
	v26 =	vimm.s32 $0x1A87;
	v27 =	vimm.s32 $0x1B87  }
0x15: {  	vm9 =	vcmask $0x2320;
	vm10 =	vcmask $0x2724;
	vm11 =	vcmask $0x2B28  }
0x16: {  	vm12 =	vcmask $0x2F2C;
	vm13 =	vcmask $0x3330;
	vm14 =	vcmask $0x3734  }
0x17: {  	vm15 =	vcmask $0x3B38;
	v0 =	vunpack.c.0.s8.s32 v0;
	v1 =	vunpack.c.0.s8.s32 v1  }
0x18: {  	v2 =	vsel vm5, $0x100, v2;
	v3 =	vunpack.c.l.s4.s8 v3;
	v57 =	vsel vm5, $0x200, v55  }
0x19: {  	v4 =	vsel vm5, $0x400, v4;
	v5 =	vsel vm5, $0x500, v5;
	v6 =	vsel vm5, $0x600, v6  }
0x1a: {  	v7 =	vsel vm5, $0x700, v7;
	v8 =	vsel vm5, $0x800, v8;
	v9 =	vsel vm5, $0x900, v9  }
0x1b: {  	v10 =	vsel vm5, $0xA00, v10;
	v11 =	vsel vm5, $0xB00, v11;
	v12 =	vsel vm5, $0xC00, v12  }
0x1c: {  	v13 =	vsel vm5, $0xD00, v13;
	v14 =	vsel vm5, $0xE00, v14;
	v15 =	vsel vm5, $0xF00, v15  }
0x1d: {  	v16 =	vsel vm5, $0x1000, v16;
	v17 =	vsel vm5, $0x1100, v17;
	v18 =	vsel vm5, $0x1200, v18  }
0x1e: {  	v19 =	vsel vm5, $0x1300, v19;
	v20 =	vsel vm5, $0x1400, v20;
	v21 =	vsel vm5, $0x1500, v21  }
0x1f: {  	v22 =	vsel vm5, $0x1600, v22;
	v23 =	vsel vm5, $0x1700, v23;
	v24 =	vsel vm5, $0x1800, v24  }
0x20: {  	v25 =	vsel vm5, $0x1900, v25;
	v26 =	vsel vm5, $0x1A00, v26;
	v27 =	vsel vm5, $0x1B00, v27  }
0x21: {  	v2 =	vsel vm7, $0x101, v2;
	v28 =	vsel vm7, $0x201, v57;
	v4 =	vsel vm7, $0x401, v4  }
0x22: {  	v5 =	vsel vm7, $0x501, v5;
	v6 =	vsel vm7, $0x601, v6;
	v7 =	vsel vm7, $0x701, v7  }
0x23: {  	v8 =	vsel vm7, $0x801, v8;
	v9 =	vsel vm7, $0x901, v9;
	v10 =	vsel vm7, $0xA01, v10  }
0x24: {  	v11 =	vsel vm7, $0xB01, v11;
	v12 =	vsel vm7, $0xC01, v12;
	v13 =	vsel vm7, $0xD01, v13  }
0x25: {  	v14 =	vsel vm7, $0xE01, v14;
	v15 =	vsel vm7, $0xF01, v15;
	v16 =	vsel vm7, $0x1001, v16  }
0x26: {  	v17 =	vsel vm7, $0x1101, v17;
	v18 =	vsel vm7, $0x1201, v18;
	v19 =	vsel vm7, $0x1301, v19  }
0x27: {  	v20 =	vsel vm7, $0x1401, v20;
	v21 =	vsel vm7, $0x1501, v21;
	v22 =	vsel vm7, $0x1601, v22  }
0x28: {  	v23 =	vsel vm7, $0x1701, v23;
	v24 =	vsel vm7, $0x1801, v24;
	v25 =	vsel vm7, $0x1901, v25  }
0x29: {  	v26 =	vsel vm7, $0x1A01, v26;
	v27 =	vsel vm7, $0x1B01, v27;
	v2 =	vsel vm0, $0x102, v2  }
0x2a: {  	v3 =	vunpack.c.0.s8.s32 v3;
	v0 =	vsel vm2, v1, v0;
	v60 =	vsel vm0, $0x202, v28  }
0x2b: {  	v4 =	vsel vm0, $0x402, v4;
	v5 =	vsel vm0, $0x502, v5;
	v6 =	vsel vm0, $0x602, v6  }
0x2c: {  	v7 =	vsel vm0, $0x702, v7;
	v8 =	vsel vm0, $0x802, v8;
	v9 =	vsel vm0, $0x902, v9  }
0x2d: {  	v10 =	vsel vm0, $0xA02, v10;
	v11 =	vsel vm0, $0xB02, v11;
	v12 =	vsel vm0, $0xC02, v12  }
0x2e: {  	v13 =	vsel vm0, $0xD02, v13;
	v14 =	vsel vm0, $0xE02, v14;
	v15 =	vsel vm0, $0xF02, v15  }
0x2f: {  	v16 =	vsel vm0, $0x1002, v16;
	v17 =	vsel vm0, $0x1102, v17;
	v18 =	vsel vm0, $0x1202, v18  }
0x30: {  	v19 =	vsel vm0, $0x1302, v19;
	v20 =	vsel vm0, $0x1402, v20;
	v21 =	vsel vm0, $0x1502, v21  }
0x31: {  	v22 =	vsel vm0, $0x1602, v22;
	v23 =	vsel vm0, $0x1702, v23;
	v24 =	vsel vm0, $0x1802, v24  }
0x32: {  	v25 =	vsel vm0, $0x1902, v25;
	v26 =	vsel vm0, $0x1A02, v26;
	v27 =	vsel vm0, $0x1B02, v27  }
0x33: {  	v2 =	vsel vm1, $0x103, v2;
	v62 =	vsel vm1, $0x203, v60;
	v63 =	vsel vm1, $0x403, v4  }
0x34: {  	v30 =	vsel vm1, $0x503, v5;
	v31 =	vsel vm1, $0x603, v6;
	v32 =	vsel vm1, $0x703, v7  }
0x35: {  	v33 =	vsel vm1, $0x803, v8;
	v34 =	vsel vm1, $0x903, v9;
	v35 =	vsel vm1, $0xA03, v10  }
0x36: {  	v36 =	vsel vm1, $0xB03, v11;
	v37 =	vsel vm1, $0xC03, v12;
	v38 =	vsel vm1, $0xD03, v13  }
0x37: {  	v39 =	vsel vm1, $0xE03, v14;
	v40 =	vsel vm1, $0xF03, v15;
	v41 =	vsel vm1, $0x1003, v16  }
0x38: {  	v42 =	vsel vm1, $0x1103, v17;
	v43 =	vsel vm1, $0x1203, v18;
	v44 =	vsel vm1, $0x1303, v19  }
0x39: {  	v45 =	vsel vm1, $0x1403, v20;
	v46 =	vsel vm1, $0x1503, v21;
	v47 =	vsel vm1, $0x1603, v22  }
0x3a: {  	v48 =	vsel vm1, $0x1703, v23;
	v49 =	vsel vm1, $0x1803, v24;
	v50 =	vsel vm1, $0x1903, v25  }
0x3b: {  	v51 =	vsel vm1, $0x1A03, v26;
	v52 =	vsel vm1, $0x1B03, v27;
	v54 =	vsel vm6, $0x104, v2  }
0x3c: {  	v0 =	vcombine.low v3, v0;
	v2 =	vsel vm5, $0x300, v58;
	v53 =	vsel vm6, $0x204, v62  }
0x3d: {  	v3 =	vsel vm6, $0x404, v63;
	v4 =	vsel vm6, $0x504, v30;
	v5 =	vsel vm6, $0x604, v31  }
0x3e: {  	v6 =	vsel vm6, $0x704, v32;
	v7 =	vsel vm6, $0x804, v33;
	v8 =	vsel vm6, $0x904, v34  }
0x3f: {  	v9 =	vsel vm6, $0xA04, v35;
	v10 =	vsel vm6, $0xB04, v36;
	v11 =	vsel vm6, $0xC04, v37  }
0x40: {  	v12 =	vsel vm6, $0xD04, v38;
	v13 =	vsel vm6, $0xE04, v39;
	v14 =	vsel vm6, $0xF04, v40  }
0x41: {  	v15 =	vsel vm6, $0x1004, v41;
	v16 =	vsel vm6, $0x1104, v42;
	v17 =	vsel vm6, $0x1204, v43  }
0x42: {  	v18 =	vsel vm6, $0x1304, v44;
	v19 =	vsel vm6, $0x1404, v45;
	v20 =	vsel vm6, $0x1504, v46  }
0x43: {  	v21 =	vsel vm6, $0x1604, v47;
	v22 =	vsel vm6, $0x1704, v48;
	v23 =	vsel vm6, $0x1804, v49  }
0x44: {  	v24 =	vsel vm6, $0x1904, v50;
	v25 =	vsel vm6, $0x1A04, v51;
	v26 =	vsel vm6, $0x1B04, v52  }
0x45: {  	v1 =	vsel vm8, $0x105, v54;
	v2 =	vsel vm7, $0x301, v2;
	v54 =	vimm.f32 $0.0e+00  }
0x46: {  	v27 =	vsel vm8, $0x205, v53;
	v3 =	vsel vm8, $0x405, v3;
	v4 =	vsel vm8, $0x505, v4  }
0x47: {  	v5 =	vsel vm8, $0x605, v5;
	v6 =	vsel vm8, $0x705, v6;
	v7 =	vsel vm8, $0x805, v7  }
0x48: {  	v8 =	vsel vm8, $0x905, v8;
	v9 =	vsel vm8, $0xA05, v9;
	v10 =	vsel vm8, $0xB05, v10  }
0x49: {  	v11 =	vsel vm8, $0xC05, v11;
	v12 =	vsel vm8, $0xD05, v12;
	v13 =	vsel vm8, $0xE05, v13  }
0x4a: {  	v14 =	vsel vm8, $0xF05, v14;
	v15 =	vsel vm8, $0x1005, v15;
	v16 =	vsel vm8, $0x1105, v16  }
0x4b: {  	v17 =	vsel vm8, $0x1205, v17;
	v18 =	vsel vm8, $0x1305, v18;
	v19 =	vsel vm8, $0x1405, v19  }
0x4c: {  	v20 =	vsel vm8, $0x1505, v20;
	v21 =	vsel vm8, $0x1605, v21;
	v22 =	vsel vm8, $0x1705, v22  }
0x4d: {  	v23 =	vsel vm8, $0x1805, v23;
	v24 =	vsel vm8, $0x1905, v24;
	v25 =	vsel vm8, $0x1A05, v25  }
0x4e: {  	v26 =	vsel vm8, $0x1B05, v26;
	v1 =	vsel vm4, $0x106, v1;
	v2 =	vsel vm0, $0x302, v2  }
0x4f: {  	v27 =	vsel vm4, $0x206, v27;
	v3 =	vsel vm4, $0x406, v3;
	v4 =	vsel vm4, $0x506, v4  }
0x50: {  	v5 =	vsel vm4, $0x606, v5;
	v6 =	vsel vm4, $0x706, v6;
	v7 =	vsel vm4, $0x806, v7  }
0x51: {  	v8 =	vsel vm4, $0x906, v8;
	v9 =	vsel vm4, $0xA06, v9;
	v10 =	vsel vm4, $0xB06, v10  }
0x52: {  	v11 =	vsel vm4, $0xC06, v11;
	v12 =	vsel vm4, $0xD06, v12;
	v13 =	vsel vm4, $0xE06, v13  }
0x53: {  	v14 =	vsel vm4, $0xF06, v14;
	v15 =	vsel vm4, $0x1006, v15;
	v16 =	vsel vm4, $0x1106, v16  }
0x54: {  	v17 =	vsel vm4, $0x1206, v17;
	v18 =	vsel vm4, $0x1306, v18;
	v19 =	vsel vm4, $0x1406, v19  }
0x55: {  	v20 =	vsel vm4, $0x1506, v20;
	v21 =	vsel vm4, $0x1606, v21;
	v22 =	vsel vm4, $0x1706, v22  }
0x56: {  	v23 =	vsel vm4, $0x1806, v23;
	v24 =	vsel vm4, $0x1906, v24;
	v25 =	vsel vm4, $0x1A06, v25  }
0x57: {  	v26 =	vsel vm4, $0x1B06, v26;
	v56 =	vsel vm3, $0x107, v1;
	v1 =	vand.u32 $0xFF, v0  }
0x58: {  	v2 =	vsel vm1, $0x303, v2;
	v27 =	vsel vm3, $0x207, v27;
	v3 =	vsel vm3, $0x407, v3  }
0x59: {  	v4 =	vsel vm3, $0x507, v4;
	v5 =	vsel vm3, $0x607, v5;
	v6 =	vsel vm3, $0x707, v6  }
0x5a: {  	v7 =	vsel vm3, $0x807, v7;
	v8 =	vsel vm3, $0x907, v8;
	v9 =	vsel vm3, $0xA07, v9  }
0x5b: {  	v10 =	vsel vm3, $0xB07, v10;
	v11 =	vsel vm3, $0xC07, v11;
	v12 =	vsel vm3, $0xD07, v12  }
0x5c: {  	v13 =	vsel vm3, $0xE07, v13;
	v14 =	vsel vm3, $0xF07, v14;
	v15 =	vsel vm3, $0x1007, v15  }
0x5d: {  	v16 =	vsel vm3, $0x1107, v16;
	v17 =	vsel vm3, $0x1207, v17;
	v18 =	vsel vm3, $0x1307, v18  }
0x5e: {  	v19 =	vsel vm3, $0x1407, v19;
	v20 =	vsel vm3, $0x1507, v20;
	v21 =	vsel vm3, $0x1607, v21  }
0x5f: {  	v22 =	vsel vm3, $0x1707, v22;
	v23 =	vsel vm3, $0x1807, v23;
	v24 =	vsel vm3, $0x1907, v24  }
0x60: {  	v25 =	vsel vm3, $0x1A07, v25;
	v26 =	vsel vm3, $0x1B07, v26;
	v59 =	vsel vm9, $0x180, v56  }
0x61: {  	v2 =	vsel vm6, $0x304, v2;
	v27 =	vsel vm9, $0x280, v27;
	v30 =	vsel vm9, $0x480, v3  }
0x62: {  	v31 =	vsel vm9, $0x580, v4;
	v32 =	vsel vm9, $0x680, v5;
	v33 =	vsel vm9, $0x780, v6  }
0x63: {  	v34 =	vsel vm9, $0x880, v7;
	v8 =	vsel vm9, $0x980, v8;
	v9 =	vsel vm9, $0xA80, v9  }
0x64: {  	v10 =	vsel vm9, $0xB80, v10;
	v11 =	vsel vm9, $0xC80, v11;
	v12 =	vsel vm9, $0xD80, v12  }
0x65: {  	v13 =	vsel vm9, $0xE80, v13;
	v14 =	vsel vm9, $0xF80, v14;
	v15 =	vsel vm9, $0x1080, v15  }
0x66: {  	v16 =	vsel vm9, $0x1180, v16;
	v17 =	vsel vm9, $0x1280, v17;
	v18 =	vsel vm9, $0x1380, v18  }
0x67: {  	v19 =	vsel vm9, $0x1480, v19;
	v20 =	vsel vm9, $0x1580, v20;
	v55 =	vsel vm9, $0x1680, v21  }
0x68: {  	v56 =	vsel vm9, $0x1780, v22;
	v57 =	vsel vm9, $0x1880, v23;
	v58 =	vsel vm9, $0x1980, v24  }
0x69: {  	v60 =	vsel vm9, $0x1B80, v26;
	v61 =	vsel vm10, $0x181, v59;
	v2 =	vsel vm8, $0x305, v2  }
0x6a: {  	v27 =	vsel vm10, $0x281, v27;
	v59 =	vsel vm9, $0x1A80, v25;
	v30 =	vsel vm10, $0x481, v30  }
0x6b: {  	v31 =	vsel vm10, $0x581, v31;
	v32 =	vsel vm10, $0x681, v32;
	v33 =	vsel vm10, $0x781, v33  }
0x6c: {  	v35 =	vsel vm10, $0x881, v34;
	v8 =	vsel vm10, $0x981, v8;
	v9 =	vsel vm10, $0xA81, v9  }
0x6d: {  	v10 =	vsel vm10, $0xB81, v10;
	v11 =	vsel vm10, $0xC81, v11;
	v12 =	vsel vm10, $0xD81, v12  }
0x6e: {  	v13 =	vsel vm10, $0xE81, v13;
	v14 =	vsel vm10, $0xF81, v14;
	v15 =	vsel vm10, $0x1081, v15  }
0x6f: {  	v16 =	vsel vm10, $0x1181, v16;
	v17 =	vsel vm10, $0x1281, v17;
	v39 =	vsel vm10, $0x1381, v18  }
0x70: {  	v40 =	vsel vm10, $0x1481, v19;
	v41 =	vsel vm10, $0x1581, v20;
	v7 =	vsel vm10, $0x1681, v55  }
0x71: {  	v6 =	vsel vm10, $0x1781, v56;
	v5 =	vsel vm10, $0x1881, v57;
	v4 =	vsel vm10, $0x1981, v58  }
0x72: {  	v28 =	vsel vm11, $0x182, v61;
	v2 =	vsel vm4, $0x306, v2;
	v27 =	vsel vm11, $0x282, v27  }
0x73: {  	v24 =	vsel vm11, $0x482, v30;
	v25 =	vsel vm11, $0x582, v31;
	v26 =	vsel vm11, $0x682, v32  }
0x74: {  	v8 =	vsel vm11, $0x982, v8;
	v9 =	vsel vm11, $0xA82, v9;
	v10 =	vsel vm11, $0xB82, v10  }
0x75: {  	v11 =	vsel vm11, $0xC82, v11;
	v12 =	vsel vm11, $0xD82, v12;
	v13 =	vsel vm11, $0xE82, v13  }
0x76: {  	v14 =	vsel vm11, $0xF82, v14;
	v15 =	vsel vm11, $0x1082, v15;
	v16 =	vsel vm11, $0x1182, v16  }
0x77: {  	v38 =	vsel vm11, $0x1282, v17;
	v17 =	vsel vm11, $0x1382, v39;
	v18 =	vsel vm11, $0x1482, v40  }
0x78: {  	v19 =	vsel vm11, $0x1582, v41;
	v7 =	vsel vm11, $0x1682, v7;
	v6 =	vsel vm11, $0x1782, v6  }
0x79: {  	v5 =	vsel vm11, $0x1882, v5;
	v4 =	vsel vm11, $0x1982, v4;
	v3 =	vsel vm10, $0x1A81, v59  }
0x7a: {  	v28 =	vsel vm12, $0x183, v28;
	v2 =	vsel vm3, $0x307, v2;
	v27 =	vsel vm12, $0x283, v27  }
0x7b: {  	v24 =	vsel vm12, $0x483, v24;
	v25 =	vsel vm12, $0x583, v25;
	v26 =	vsel vm12, $0x683, v26  }
0x7c: {  	v8 =	vsel vm12, $0x983, v8;
	v9 =	vsel vm12, $0xA83, v9;
	v10 =	vsel vm12, $0xB83, v10  }
0x7d: {  	v11 =	vsel vm12, $0xC83, v11;
	v12 =	vsel vm12, $0xD83, v12;
	v13 =	vsel vm12, $0xE83, v13  }
0x7e: {  	v14 =	vsel vm12, $0xF83, v14;
	v15 =	vsel vm12, $0x1083, v15;
	v37 =	vsel vm12, $0x1183, v16  }
0x7f: {  	v16 =	vsel vm12, $0x1283, v38;
	v17 =	vsel vm12, $0x1383, v17;
	v18 =	vsel vm12, $0x1483, v18  }
0x80: {  	v19 =	vsel vm12, $0x1583, v19;
	v7 =	vsel vm12, $0x1683, v7;
	v6 =	vsel vm12, $0x1783, v6  }
0x81: {  	v5 =	vsel vm12, $0x1883, v5;
	v4 =	vsel vm12, $0x1983, v4;
	v3 =	vsel vm11, $0x1A82, v3  }
0x82: {  	v28 =	vsel vm13, $0x184, v28;
	v2 =	vsel vm9, $0x380, v2;
	v61 =	vsel vm13, $0x284, v27  }
0x83: {  	v24 =	vsel vm13, $0x484, v24;
	v25 =	vsel vm13, $0x584, v25;
	v26 =	vsel vm13, $0x684, v26  }
0x84: {  	v27 =	vsel vm11, $0x782, v33;
	v8 =	vsel vm13, $0x984, v8;
	v2 =	vsel vm10, $0x381, v2  }
0x85: {  	s5 =	simm.s32 $0x0;
	v9 =	vsel vm13, $0xA84, v9;
	v10 =	vsel vm13, $0xB84, v10;
	v29 =	vsel vm11, $0x382, v2  }
0x86: {  	[tilespmem:s5], [sflag:$0x1] =	stream.linear.gather [hbm4b:s4+s5], $0x100, $0x38;
	v11 =	vsel vm13, $0xC84, v11;
	v28 =	vsel vm14, $0x185, v28;
	v62 =	vsel vm12, $0x383, v29;
	[tilespmem:$0x1F00] =	vst v63  }
0x87: {  	s26 =	simm.s32 $0x100;
	v21 =	vsel vm14, $0x285, v61;
	v63 =	vsel vm15, $0x186, v28;
	v22 =	vsel vm13, $0x384, v62  }
0x88: {  	[tilespmem:s26], [sflag:$0x1] =	stream.linear.gather [hbm4b:s3+s5], $0x100, $0x38;
	v24 =	vsel vm14, $0x485, v24;
	v21 =	vsel vm15, $0x286, v21;
	v22 =	vsel vm14, $0x385, v22;
	[tilespmem:$0x1F00] =	vst v63  }
0x89: {  	s28 =	simm.s32 $0x200;
	s29 =	simm.s32 $0x300;
	v25 =	vsel vm14, $0x585, v25;
	v26 =	vsel vm14, $0x685, v26;
	v22 =	vsel vm15, $0x386, v22  }
0x8a: {  	[tilespmem:s28], [sflag:$0x1] =	stream.linear.gather [hbm4b:s2+s5], $0x100, $0x38;
	v27 =	vsel vm12, $0x783, v27;
	v24 =	vsel vm15, $0x486, v24;
	v28 =	vsel vm11, $0x882, v35;
	[tilespmem:$0x1F00] =	vst v63  }
0x8b: {  	[tilespmem:v1+s29+$0x0] =	vst.idx.msk $0xffff, v54;
	v25 =	vsel vm15, $0x586, v25;
	v27 =	vsel vm13, $0x784, v27;
	v28 =	vsel vm12, $0x883, v28  }
0x8c: {  	v26 =	vsel vm15, $0x686, v26;
	v27 =	vsel vm14, $0x785, v27;
	v28 =	vsel vm13, $0x884, v28;
	[tilespmem:v63+s29+$0x0] =	vst.idx.msk $0xffff, v54  }
0x8d: {  	v12 =	vsel vm13, $0xD84, v12;
	v27 =	vsel vm15, $0x786, v27;
	v28 =	vsel vm14, $0x885, v28;
	[tilespmem:v21+s29+$0x0] =	vst.idx.msk $0xffff, v54  }
0x8e: {  	v13 =	vsel vm13, $0xE84, v13;
	v8 =	vsel vm14, $0x985, v8;
	v28 =	vsel vm15, $0x886, v28;
	[tilespmem:v22+s29+$0x0] =	vst.idx.msk $0xffff, v54  }
0x8f: {  	v14 =	vsel vm13, $0xF84, v14;
	v9 =	vsel vm14, $0xA85, v9;
	v8 =	vsel vm15, $0x986, v8;
	[tilespmem:v24+s29+$0x0] =	vst.idx.msk $0xffff, v54  }
0x90: {  	v36 =	vsel vm13, $0x1084, v15;
	v10 =	vsel vm14, $0xB85, v10;
	v9 =	vsel vm15, $0xA86, v9;
	[tilespmem:v25+s29+$0x0] =	vst.idx.msk $0xffff, v54  }
0x91: {  	v15 =	vsel vm13, $0x1184, v37;
	v11 =	vsel vm14, $0xC85, v11;
	v10 =	vsel vm15, $0xB86, v10;
	[tilespmem:v26+s29+$0x0] =	vst.idx.msk $0xffff, v54  }
0x92: {  	v16 =	vsel vm13, $0x1284, v16;
	v12 =	vsel vm14, $0xD85, v12;
	v11 =	vsel vm15, $0xC86, v11;
	[tilespmem:v27+s29+$0x0] =	vst.idx.msk $0xffff, v54  }
0x93: {  	v17 =	vsel vm13, $0x1384, v17;
	v13 =	vsel vm14, $0xE85, v13;
	v12 =	vsel vm15, $0xD86, v12;
	[tilespmem:v28+s29+$0x0] =	vst.idx.msk $0xffff, v54  }
0x94: {  	v18 =	vsel vm13, $0x1484, v18;
	v14 =	vsel vm14, $0xF85, v14;
	v13 =	vsel vm15, $0xE86, v13;
	[tilespmem:v8+s29+$0x0] =	vst.idx.msk $0xffff, v54  }
0x95: {  	v19 =	vsel vm13, $0x1584, v19;
	v1 =	vsel vm14, $0x1085, v36;
	v14 =	vsel vm15, $0xF86, v14;
	[tilespmem:v9+s29+$0x0] =	vst.idx.msk $0xffff, v54  }
0x96: {  	v7 =	vsel vm13, $0x1684, v7;
	v15 =	vsel vm14, $0x1185, v15;
	v1 =	vsel vm15, $0x1086, v1;
	[tilespmem:v10+s29+$0x0] =	vst.idx.msk $0xffff, v54  }
0x97: {  	v6 =	vsel vm13, $0x1784, v6;
	v16 =	vsel vm14, $0x1285, v16;
	v15 =	vsel vm15, $0x1186, v15;
	[tilespmem:v11+s29+$0x0] =	vst.idx.msk $0xffff, v54  }
0x98: {  	v5 =	vsel vm13, $0x1884, v5;
	v17 =	vsel vm14, $0x1385, v17;
	v16 =	vsel vm15, $0x1286, v16;
	[tilespmem:v12+s29+$0x0] =	vst.idx.msk $0xffff, v54  }
0x99: {  	v4 =	vsel vm13, $0x1984, v4;
	v18 =	vsel vm14, $0x1485, v18;
	v17 =	vsel vm15, $0x1386, v17;
	[tilespmem:v13+s29+$0x0] =	vst.idx.msk $0xffff, v54  }
0x9a: {  	v3 =	vsel vm12, $0x1A83, v3;
	v43 =	vsel vm14, $0x1585, v19;
	v42 =	vsel vm15, $0x1486, v18;
	[tilespmem:v14+s29+$0x0] =	vst.idx.msk $0xffff, v54  }
0x9b: {  	v7 =	vsel vm14, $0x1685, v7;
	v6 =	vsel vm14, $0x1785, v6;
	v44 =	vsel vm15, $0x1586, v43;
	[tilespmem:v1+s29+$0x0] =	vst.idx.msk $0xffff, v54  }
0x9c: {  	v5 =	vsel vm14, $0x1885, v5;
	v7 =	vsel vm15, $0x1686, v7;
	v2 =	vsel vm10, $0x1B81, v60;
	[tilespmem:v15+s29+$0x0] =	vst.idx.msk $0xffff, v54  }
0x9d: {  	v4 =	vsel vm14, $0x1985, v4;
	v6 =	vsel vm15, $0x1786, v6;
	v2 =	vsel vm11, $0x1B82, v2;
	[tilespmem:v16+s29+$0x0] =	vst.idx.msk $0xffff, v54  }
0x9e: {  	v3 =	vsel vm13, $0x1A84, v3;
	v45 =	vsel vm15, $0x1886, v5;
	v2 =	vsel vm12, $0x1B83, v2;
	[tilespmem:v17+s29+$0x0] =	vst.idx.msk $0xffff, v54  }
0x9f: {  	v4 =	vsel vm15, $0x1986, v4;
	v3 =	vsel vm14, $0x1A85, v3;
	v2 =	vsel vm13, $0x1B84, v2;
	[tilespmem:v42+s29+$0x0] =	vst.idx.msk $0xffff, v54  }
0xa0: {  	v3 =	vsel vm15, $0x1A86, v3;
	v2 =	vsel vm14, $0x1B85, v2;
	[tilespmem:v44+s29+$0x0] =	vst.idx.msk $0xffff, v54  }
0xa1: {  	v2 =	vsel vm15, $0x1B86, v2;
	[tilespmem:v7+s29+$0x0] =	vst.idx.msk $0xffff, v54  }
0xa2: {  	[tilespmem:v6+s29+$0x0] =	vst.idx.msk $0xffff, v54  }
0xa3: {  	[tilespmem:v45+s29+$0x0] =	vst.idx.msk $0xffff, v54  }
0xa4: {  	[tilespmem:v4+s29+$0x0] =	vst.idx.msk $0xffff, v54  }
0xa5: {  	[tilespmem:v3+s29+$0x0] =	vst.idx.msk $0xffff, v54  }
0xa6: {  	s30 =	simm.s32 $0x1;
	[tilespmem:v2+s29+$0x0] =	vst.idx.msk $0xffff, v54  }
0xa7: {  	_ =	swait.ge [sflag:s30], $0x100  }
0xa8: {  	[sflag:s30] =	ssyncset.done $0x0  }
0xa9: {  	[sflag:s30] =	ssyncadd.s32 $0xFFFFFF00  }
0xaa: {  	_ =	swait.ge [sflag:s30], $0x100  }
0xab: {  	[sflag:s30] =	ssyncset.done $0x0  }
0xac: {  	[sflag:s30] =	ssyncadd.s32 $0xFFFFFF00  }
0xad: {  	_ =	swait.ge [sflag:s30], $0x100  }
0xae: {  	[sflag:s30] =	ssyncset.done $0x0  }
0xaf: {  	[sflag:s30] =	ssyncadd.s32 $0xFFFFFF00  }
0xb0: {  	v46 =	vld [tilespmem:$0x100]  }
0xb1: {  	v47 =	vld [tilespmem:$0x0];
	_ =	sdelay $0x3  }
0xb2: {  	v0 =	vshll.u32 v46, $0x7  }
0xb3: {  	v0 =	vadd.s32 v0, v47  }
0xb4: {  	v48 =	vld [tilespmem:$0x200];
	v0 =	vadd.s32 $0xFFFFFC00, v0;
	_ =	sdelay $0x4  }
0xb5: {  	[tilespmem:v0+s29+$0x0] =	vst.idx.add.f32.msk $0xffff, v48  }
0xb6: {  	v0 =	vld [tilespmem:$0x110]  }
0xb7: {  	v1 =	vld [tilespmem:$0x10];
	_ =	sdelay $0x3  }
0xb8: {  	v0 =	vshll.u32 v0, $0x7  }
0xb9: {  	v0 =	vadd.s32 v0, v1  }
0xba: {  	v49 =	vld [tilespmem:$0x210];
	v0 =	vadd.s32 $0xFFFFFC00, v0;
	_ =	sdelay $0x4  }
0xbb: {  	[tilespmem:v0+s29+$0x0] =	vst.idx.add.f32.msk $0xffff, v49  }
0xbc: {  	v0 =	vld [tilespmem:$0x120]  }
0xbd: {  	v1 =	vld [tilespmem:$0x20];
	_ =	sdelay $0x3  }
0xbe: {  	v0 =	vshll.u32 v0, $0x7  }
0xbf: {  	v0 =	vadd.s32 v0, v1  }
0xc0: {  	v50 =	vld [tilespmem:$0x220];
	v0 =	vadd.s32 $0xFFFFFC00, v0;
	_ =	sdelay $0x4  }
0xc1: {  	[tilespmem:v0+s29+$0x0] =	vst.idx.add.f32.msk $0xffff, v50  }
0xc2: {  	v0 =	vld [tilespmem:$0x130]  }
0xc3: {  	v1 =	vld [tilespmem:$0x30];
	_ =	sdelay $0x3  }
0xc4: {  	v0 =	vshll.u32 v0, $0x7  }
0xc5: {  	v0 =	vadd.s32 v0, v1  }
0xc6: {  	v51 =	vld [tilespmem:$0x230];
	v0 =	vadd.s32 $0xFFFFFC00, v0;
	_ =	sdelay $0x4  }
0xc7: {  	[tilespmem:v0+s29+$0x0] =	vst.idx.add.f32.msk $0xffff, v51  }
0xc8: {  	v0 =	vld [tilespmem:$0x140]  }
0xc9: {  	v1 =	vld [tilespmem:$0x40];
	_ =	sdelay $0x3  }
0xca: {  	v0 =	vshll.u32 v0, $0x7  }
0xcb: {  	v0 =	vadd.s32 v0, v1  }
0xcc: {  	v52 =	vld [tilespmem:$0x240];
	v0 =	vadd.s32 $0xFFFFFC00, v0;
	_ =	sdelay $0x4  }
0xcd: {  	[tilespmem:v0+s29+$0x0] =	vst.idx.add.f32.msk $0xffff, v52  }
0xce: {  	v0 =	vld [tilespmem:$0x150]  }
0xcf: {  	v1 =	vld [tilespmem:$0x50];
	_ =	sdelay $0x3  }
0xd0: {  	v0 =	vshll.u32 v0, $0x7  }
0xd1: {  	v0 =	vadd.s32 v0, v1  }
0xd2: {  	v53 =	vld [tilespmem:$0x250];
	v0 =	vadd.s32 $0xFFFFFC00, v0;
	_ =	sdelay $0x4  }
0xd3: {  	[tilespmem:v0+s29+$0x0] =	vst.idx.add.f32.msk $0xffff, v53  }
0xd4: {  	v0 =	vld [tilespmem:$0x160]  }
0xd5: {  	v1 =	vld [tilespmem:$0x60];
	_ =	sdelay $0x3  }
0xd6: {  	v0 =	vshll.u32 v0, $0x7  }
0xd7: {  	v0 =	vadd.s32 v0, v1  }
0xd8: {  	v54 =	vld [tilespmem:$0x260];
	v0 =	vadd.s32 $0xFFFFFC00, v0;
	_ =	sdelay $0x4  }
0xd9: {  	[tilespmem:v0+s29+$0x0] =	vst.idx.add.f32.msk $0xffff, v54  }
0xda: {  	v0 =	vld [tilespmem:$0x170]  }
0xdb: {  	v1 =	vld [tilespmem:$0x70];
	_ =	sdelay $0x3  }
0xdc: {  	v0 =	vshll.u32 v0, $0x7  }
0xdd: {  	v0 =	vadd.s32 v0, v1  }
0xde: {  	v55 =	vld [tilespmem:$0x270];
	v0 =	vadd.s32 $0xFFFFFC00, v0;
	_ =	sdelay $0x4  }
0xdf: {  	[tilespmem:v0+s29+$0x0] =	vst.idx.add.f32.msk $0xffff, v55  }
0xe0: {  	v0 =	vld [tilespmem:$0x180]  }
0xe1: {  	v1 =	vld [tilespmem:$0x80];
	_ =	sdelay $0x3  }
0xe2: {  	v0 =	vshll.u32 v0, $0x7  }
0xe3: {  	v0 =	vadd.s32 v0, v1  }
0xe4: {  	v56 =	vld [tilespmem:$0x280];
	v0 =	vadd.s32 $0xFFFFFC00, v0;
	_ =	sdelay $0x4  }
0xe5: {  	[tilespmem:v0+s29+$0x0] =	vst.idx.add.f32.msk $0xffff, v56  }
0xe6: {  	v0 =	vld [tilespmem:$0x190]  }
0xe7: {  	v1 =	vld [tilespmem:$0x90];
	_ =	sdelay $0x3  }
0xe8: {  	v0 =	vshll.u32 v0, $0x7  }
0xe9: {  	v0 =	vadd.s32 v0, v1  }
0xea: {  	v57 =	vld [tilespmem:$0x290];
	v0 =	vadd.s32 $0xFFFFFC00, v0;
	_ =	sdelay $0x4  }
0xeb: {  	[tilespmem:v0+s29+$0x0] =	vst.idx.add.f32.msk $0xffff, v57  }
0xec: {  	v0 =	vld [tilespmem:$0x1A0]  }
0xed: {  	v1 =	vld [tilespmem:$0xA0];
	_ =	sdelay $0x3  }
0xee: {  	v0 =	vshll.u32 v0, $0x7  }
0xef: {  	v0 =	vadd.s32 v0, v1  }
0xf0: {  	v58 =	vld [tilespmem:$0x2A0];
	v0 =	vadd.s32 $0xFFFFFC00, v0;
	_ =	sdelay $0x4  }
0xf1: {  	[tilespmem:v0+s29+$0x0] =	vst.idx.add.f32.msk $0xffff, v58  }
0xf2: {  	v0 =	vld [tilespmem:$0x1B0]  }
0xf3: {  	v1 =	vld [tilespmem:$0xB0];
	_ =	sdelay $0x3  }
0xf4: {  	v0 =	vshll.u32 v0, $0x7  }
0xf5: {  	v0 =	vadd.s32 v0, v1  }
0xf6: {  	v59 =	vld [tilespmem:$0x2B0];
	v0 =	vadd.s32 $0xFFFFFC00, v0;
	_ =	sdelay $0x4  }
0xf7: {  	[tilespmem:v0+s29+$0x0] =	vst.idx.add.f32.msk $0xffff, v59  }
0xf8: {  	v0 =	vld [tilespmem:$0x1C0]  }
0xf9: {  	v1 =	vld [tilespmem:$0xC0];
	_ =	sdelay $0x3  }
0xfa: {  	v0 =	vshll.u32 v0, $0x7  }
0xfb: {  	v0 =	vadd.s32 v0, v1  }
0xfc: {  	v60 =	vld [tilespmem:$0x2C0];
	v0 =	vadd.s32 $0xFFFFFC00, v0;
	_ =	sdelay $0x4  }
0xfd: {  	[tilespmem:v0+s29+$0x0] =	vst.idx.add.f32.msk $0xffff, v60  }
0xfe: {  	v0 =	vld [tilespmem:$0x1D0]  }
0xff: {  	v1 =	vld [tilespmem:$0xD0];
	_ =	sdelay $0x3  }
0x100: {  	v0 =	vshll.u32 v0, $0x7  }
0x101: {  	v0 =	vadd.s32 v0, v1  }
0x102: {  	v61 =	vld [tilespmem:$0x2D0];
	v0 =	vadd.s32 $0xFFFFFC00, v0;
	_ =	sdelay $0x4  }
0x103: {  	[tilespmem:v0+s29+$0x0] =	vst.idx.add.f32.msk $0xffff, v61  }
0x104: {  	v0 =	vld [tilespmem:$0x1E0]  }
0x105: {  	v1 =	vld [tilespmem:$0xE0];
	_ =	sdelay $0x3  }
0x106: {  	v0 =	vshll.u32 v0, $0x7  }
0x107: {  	v0 =	vadd.s32 v0, v1  }
0x108: {  	v62 =	vld [tilespmem:$0x2E0];
	v0 =	vadd.s32 $0xFFFFFC00, v0;
	_ =	sdelay $0x4  }
0x109: {  	[tilespmem:v0+s29+$0x0] =	vst.idx.add.f32.msk $0xffff, v62  }
0x10a: {  	v0 =	vld [tilespmem:$0x1F0]  }
0x10b: {  	v1 =	vld [tilespmem:$0xF0];
	_ =	sdelay $0x3  }
0x10c: {  	v0 =	vshll.u32 v0, $0x7  }
0x10d: {  	v0 =	vadd.s32 v0, v1  }
0x10e: {  	v63 =	vld [tilespmem:$0x2F0];
	v0 =	vadd.s32 $0xFFFFFC00, v0;
	_ =	sdelay $0x4  }
0x10f: {  	s31 =	simm.s32 $0x2;
	[tilespmem:v0+s29+$0x0] =	vst.idx.add.f32.msk $0xffff, v63  }
0x110: {  	[hbm4b:s1+s5] =	stream.linear.scatter [tilespmem:s29], [sflag:$0x2], $0x1C00, $0x38;
	[tilespmem:$0x1F00] =	vst v63  }
0x111: {  	_ =	swait.ge [sflag:s31], $0x1C00  }
0x112: {  	[sflag:s31] =	ssyncset.done $0x0  }
0x113: {  	[sflag:s31] =	ssyncadd.s32 $0xFFFFE400  }
.LBB2_2:
0x114: {  	_ =	sfence.sel $0x180000  }
0x115: {  	[bflag:$0x0] =	sbarrier.arrive $0xFFFF  }
0x116: {  	_ =	strace $0x90000047  }
0x117: {  	s0 =	sadd.s32 @!p0 $0x100000, s0;
	[bflag:$0x2] =	sbarrier.arrive $0xFFFF  }
0x118: {  	[sflag:s0] =	ssyncadd.tile.s32 @!p0 $0x1;
	_ =	shalt  }
.Lfunc_end2:
_tile_overlayer_lowered:
.L_overlay_start_2:
0x119: {  	(tag) =	ssettag $0x2  }
0x11a: {  	s0 =	rddreg [dreg:$0x0];
	s2 =	stileid.u32  }
0x11b: {  	s1 =	rddreg [dreg:$0x1];
	p0 =	sne.s32 s2, $0x0  }
0x11c: {  	s3 =	rddreg [dreg:$0x2];
	[bflag:$0x3] =	sbarrier.arrive $0xFFFF;
	s2 =	simm.s32 @!p0 $0x1C02  }
0x11d: {  	[timem:s3], [sflag:s2] =	dma.local @!p0 [hbm:s0], s1  }
0x11e: {  	s0 =	simm.s32 @!p0 $0x2  }
0x11f: {  	_ =	swait.ge @!p0 [sflag:s0], s1  }
0x120: {  	s1 =	ssub.s32 @!p0 $0x0, s1;
	[sflag:s0] =	ssyncset.done @!p0 $0x0  }
0x121: {  	[sflag:s0] =	ssyncadd.s32 @!p0 s1  }
0x122: {  	[bflag:$0x3] =	sbarrier.arrive $0xFFFF  }
0x123: {  	_ =	shalt  }

</sc_bundles>
